<compile_context>
chip_gen: v7x
topology: tpu7x:2x2x1
jax: 0.10.2.dev20260603
libtpu: 0.0.44.dev20260713+nightly
codegen_flags: <defaults>
</compile_context>

<pallas_src>
import functools

import jax
import jax.numpy as jnp
from jax import lax
from jax.experimental import pallas as pl
from jax.experimental.pallas import tpu as pltpu
from jax.experimental.pallas import tpu_sc as plsc

BATCH = 16384
D = 3200
NUM_GROUPS = 10
SLICES_PER_GROUP = 5
SLICE_W = 32
GROUP_W = SLICES_PER_GROUP * SLICE_W
USED_COLS = NUM_GROUPS * GROUP_W

_NUM_TC_GROUPS = 9


_TC_BLK = 1024
_NREFS = 13


def _tc_body(*refs):
    xs = refs[:_NREFS]
    out_refs = refs[_NREFS:]
    for i in range(_NUM_TC_GROUPS):
        g = i
        parts = []
        for j in range(SLICES_PER_GROUP):
            chunk = j * NUM_GROUPS + g
            r, o = divmod(chunk, 4)
            parts.append(xs[r][:, o * SLICE_W:(o + 1) * SLICE_W])
        out_refs[i][...] = jnp.concatenate(parts, axis=1)


_tc_call = pl.pallas_call(
    _tc_body,
    grid=(BATCH // _TC_BLK,),
    in_specs=[
        pl.BlockSpec((_TC_BLK, 128), lambda i, c=c: (i, c))
        for c in range(_NREFS)
    ],
    out_specs=[
        pl.BlockSpec((_TC_BLK, GROUP_W), lambda i: (i, 0))
        for _ in range(_NUM_TC_GROUPS)
    ],
    out_shape=[
        jax.ShapeDtypeStruct((BATCH, GROUP_W), jnp.float32)
        for _ in range(_NUM_TC_GROUPS)
    ],
)


def _tc_args(input_tensor):
    return [input_tensor] * _NREFS


_SC_GROUPS = tuple(range(_NUM_TC_GROUPS, NUM_GROUPS))
_NSC = len(_SC_GROUPS)

_INFO = plsc.get_sparse_core_info()
_NUM_WORKERS = _INFO.num_cores * _INFO.num_subcores
_ROWS_PER_WORKER = BATCH // _NUM_WORKERS
_SC_R = 128
_SC_NCHUNK = _ROWS_PER_WORKER // _SC_R

_MESH = plsc.VectorSubcoreMesh(core_axis_name="c", subcore_axis_name="s")


def _make_sc_call():
    @functools.partial(
        pl.kernel,
        mesh=_MESH,
        out_type=tuple(
            jax.ShapeDtypeStruct((BATCH, GROUP_W), jnp.float32)
            for _ in range(_NSC)
        ),
        scratch_types=[
            pltpu.VMEM((2, _NSC, _SC_R, GROUP_W), jnp.float32),
            pltpu.SemaphoreType.DMA,
            pltpu.SemaphoreType.DMA,
            pltpu.SemaphoreType.DMA,
            pltpu.SemaphoreType.DMA,
        ],
        compiler_params=pltpu.CompilerParams(use_tc_tiling_on_sc=False),
    )
    def _sc_slice_cat(in_hbm, *rest):
        out_hbms = rest[:_NSC]
        buf = rest[_NSC]
        sems_in = rest[_NSC + 1:_NSC + 3]
        sems_out = rest[_NSC + 3:_NSC + 5]
        wid = lax.axis_index("s") * _INFO.num_cores + lax.axis_index("c")
        base = wid * _ROWS_PER_WORKER

        def in_copies(k, b):
            row0 = base + k * _SC_R
            cps = []
            for i, g in enumerate(_SC_GROUPS):
                for j in range(SLICES_PER_GROUP):
                    src_col = (j * NUM_GROUPS + g) * SLICE_W
                    cps.append(
                        pltpu.make_async_copy(
                            in_hbm.at[pl.ds(row0, _SC_R), pl.ds(src_col, SLICE_W)],
                            buf.at[b, i, :, pl.ds(j * SLICE_W, SLICE_W)],
                            sems_in[b],
                        )
                    )
            return cps

        def out_copies(k, b):
            row0 = base + k * _SC_R
            return [
                pltpu.make_async_copy(
                    buf.at[b, i],
                    out_hbms[i].at[pl.ds(row0, _SC_R), :],
                    sems_out[b],
                )
                for i in range(_NSC)
            ]

        def step(k, b):
            @pl.when(k + 1 < _SC_NCHUNK)
            def _():
                for c in in_copies(k + 1, 1 - b):
                    c.start()

            for c in in_copies(k, b):
                c.wait()

            @pl.when(k >= 2)
            def _():
                for c in out_copies(k - 2, b):
                    c.wait()

            for c in out_copies(k, b):
                c.start()

        for c in in_copies(0, 0):
            c.start()
        for k0 in range(_SC_NCHUNK // 2):
            step(2 * k0, 0)
            step(2 * k0 + 1, 1)
        for b in (0, 1):
            for c in out_copies(_SC_NCHUNK - 2 + b, b):
                c.wait()

    return _sc_slice_cat


_sc_call = _make_sc_call() if _NSC else None


def kernel(input_tensor):
    if _NSC:
        sc_outs = _sc_call(input_tensor)
        tc_outs = _tc_call(*_tc_args(input_tensor))
        return (*tc_outs, *sc_outs)
    tc_outs = _tc_call(*_tc_args(input_tensor))
    return tuple(tc_outs)

# --- scband reference (transcript-rebuilt; emitter-appended) ---
"""Pipeline reference for scband-fuse-slice-cat-same-input-module-v2-5720896438285 (READ-ONLY COPY).

The authoritative reference and input builder live on the scoring server;
editing this copy changes nothing except your own understanding.
"""

import jax, jax.numpy as jnp
import numpy as np

BATCH = 16384
D = 3200
MANY_SLICES = [[[(j * 10 + g) * 32, (j * 10 + g) * 32 + 32] for j in range(5)] for g in range(10)]

def _build_indices():
    indices = []
    sizes = []
    for slices in MANY_SLICES:
        s = 0
        for (start, end) in slices:
            indices.extend(range(start, end))
            s += end - start
        sizes.append(s)
    return np.asarray(indices, dtype=np.int32), sizes

INDICES_NP, SIZES = _build_indices()

def setup_inputs(seed: int = 0) -> dict:
    key = jax.random.key(seed)
    input_tensor = jax.random.normal(key, (BATCH, D), dtype=jnp.float32)
    return {"input_tensor": input_tensor}

def reference(input_tensor):
    # fused_slice_cat: gather all requested columns in one pass (column gather on last dim)
    idx = jnp.asarray(INDICES_NP)
    gathered = jnp.take(input_tensor, idx, axis=1)
    # fused_slice_low_v2: split the packed gather back into one output per slice-group
    outs = []
    off = 0
    for s in SIZES:
        outs.append(gathered[:, off:off + s])
        off += s
    return tuple(outs)

if __name__ == "__main__":
    import jax
    _d = setup_inputs()
    print(jax.jit(kernel)(*tuple(_d.values())))

</pallas_src>

<mosaic_0001>
#map = affine_map<(d0, d1) -> (0, 0)>
module attributes {stable_mosaic.version = 14 : i64} {
  func.func @_sc_slice_cat(%arg0: i32, %arg1: i32, %arg2: memref<16384x3200xf32, #tpu.memory_space<hbm>>, %arg3: memref<16384x160xf32, #tpu.memory_space<hbm>>, %arg4: memref<2x1x128x160xf32, #tpu.memory_space<vmem>>, %arg5: memref<!tpu.dma_semaphore, #tpu.memory_space<semaphore_mem>>, %arg6: memref<!tpu.dma_semaphore, #tpu.memory_space<semaphore_mem>>, %arg7: memref<!tpu.dma_semaphore, #tpu.memory_space<semaphore_mem>>, %arg8: memref<!tpu.dma_semaphore, #tpu.memory_space<semaphore_mem>>) attributes {dimension_semantics = [#tpu.dimension_semantics<core_parallel>, #tpu.dimension_semantics<subcore_parallel>], iteration_bounds = array<i64: 2, 16>, scalar_prefetch = 0 : i64, scratch_operands = 5 : i64, tpu.core_type = #tpu.core_type<sc_vector_subcore>, window_params = [{transform_indices = #map}, {transform_indices = #map}]} {
    %mul3A = arith.constant 2 : i32
    %mul3A_0 = arith.muli %arg1, %mul3A : i32
    %add3A = arith.addi %mul3A_0, %arg0 : i32
    %mul3A_1 = arith.constant 512 : i32
    %mul3A_2 = arith.muli %add3A, %mul3A_1 : i32
    %add3A_3 = arith.constant 0 : i32
    %add3A_4 = arith.addi %mul3A_2, %add3A_3 : i32
    %dma_start3A = arith.constant 0 : i32
    %dma_start3A_5 = arith.constant 0 : i32
    %dma_start3A_6 = arith.constant 0 : i32
    %dma_start3A_7 = arith.constant 0 : i32
    %dma_start3A_8 = tpu.memref_slice %arg4[%dma_start3A, %dma_start3A_5, %dma_start3A_6, %dma_start3A_7] : memref<2x1x128x160xf32, #tpu.memory_space<vmem>> -> memref<1x1x128x32xf32, #tpu.memory_space<vmem>>
    %dma_start3A_9 = tpu.memref_squeeze %dma_start3A_8 : memref<1x1x128x32xf32, #tpu.memory_space<vmem>> -> memref<128x32xf32, #tpu.memory_space<vmem>>
    %dma_start3A_10 = arith.constant 288 : i32
    %dma_start3A_11 = tpu.memref_slice %arg2[%add3A_4, %dma_start3A_10] : memref<16384x3200xf32, #tpu.memory_space<hbm>> -> memref<128x32xf32, #tpu.memory_space<hbm>>
    %dma_start3A_12 = arith.constant 0 : i32
    %dma_start3A_13 = arith.constant 0 : i32
    %dma_start3A_14 = tpu.memref_slice %arg4[%dma_start3A, %dma_start3A_5, %dma_start3A_12, %dma_start3A_13] : memref<2x1x128x160xf32, #tpu.memory_space<vmem>> -> memref<1x1x128x32xf32, #tpu.memory_space<vmem>>
    %dma_start3A_15 = tpu.memref_squeeze %dma_start3A_14 : memref<1x1x128x32xf32, #tpu.memory_space<vmem>> -> memref<128x32xf32, #tpu.memory_space<vmem>>
    %dma_start3A_16 = arith.constant 288 : i32
    %dma_start3A_17 = tpu.memref_slice %arg2[%add3A_4, %dma_start3A_16] : memref<16384x3200xf32, #tpu.memory_space<hbm>> -> memref<128x32xf32, #tpu.memory_space<hbm>>
    tpu.enqueue_dma source(%dma_start3A_17 : memref<128x32xf32, #tpu.memory_space<hbm>>) target(%dma_start3A_15 : memref<128x32xf32, #tpu.memory_space<vmem>>) target_semaphore(%arg5 : memref<!tpu.dma_semaphore, #tpu.memory_space<semaphore_mem>>)
    %dma_start3A_18 = arith.constant 0 : i32
    %dma_start3A_19 = arith.constant 0 : i32
    %dma_start3A_20 = arith.constant 0 : i32
    %dma_start3A_21 = arith.constant 32 : i32
    %dma_start3A_22 = tpu.memref_slice %arg4[%dma_start3A_18, %dma_start3A_19, %dma_start3A_20, %dma_start3A_21] : memref<2x1x128x160xf32, #tpu.memory_space<vmem>> -> memref<1x1x128x32xf32, #tpu.memory_space<vmem>>
    %dma_start3A_23 = tpu.memref_squeeze %dma_start3A_22 : memref<1x1x128x32xf32, #tpu.memory_space<vmem>> -> memref<128x32xf32, #tpu.memory_space<vmem>>
    %dma_start3A_24 = arith.constant 608 : i32
    %dma_start3A_25 = tpu.memref_slice %arg2[%add3A_4, %dma_start3A_24] : memref<16384x3200xf32, #tpu.memory_space<hbm>> -> memref<128x32xf32, #tpu.memory_space<hbm>>
    %dma_start3A_26 = arith.constant 0 : i32
    %dma_start3A_27 = arith.constant 32 : i32
    %dma_start3A_28 = tpu.memref_slice %arg4[%dma_start3A_18, %dma_start3A_19, %dma_start3A_26, %dma_start3A_27] : memref<2x1x128x160xf32, #tpu.memory_space<vmem>> -> memref<1x1x128x32xf32, #tpu.memory_space<vmem>>
    %dma_start3A_29 = tpu.memref_squeeze %dma_start3A_28 : memref<1x1x128x32xf32, #tpu.memory_space<vmem>> -> memref<128x32xf32, #tpu.memory_space<vmem>>
    %dma_start3A_30 = arith.constant 608 : i32
    %dma_start3A_31 = tpu.memref_slice %arg2[%add3A_4, %dma_start3A_30] : memref<16384x3200xf32, #tpu.memory_space<hbm>> -> memref<128x32xf32, #tpu.memory_space<hbm>>
    tpu.enqueue_dma source(%dma_start3A_31 : memref<128x32xf32, #tpu.memory_space<hbm>>) target(%dma_start3A_29 : memref<128x32xf32, #tpu.memory_space<vmem>>) target_semaphore(%arg5 : memref<!tpu.dma_semaphore, #tpu.memory_space<semaphore_mem>>)
    %dma_start3A_32 = arith.constant 0 : i32
    %dma_start3A_33 = arith.constant 0 : i32
    %dma_start3A_34 = arith.constant 0 : i32
    %dma_start3A_35 = arith.constant 64 : i32
    %dma_start3A_36 = tpu.memref_slice %arg4[%dma_start3A_32, %dma_start3A_33, %dma_start3A_34, %dma_start3A_35] : memref<2x1x128x160xf32, #tpu.memory_space<vmem>> -> memref<1x1x128x32xf32, #tpu.memory_space<vmem>>
    %dma_start3A_37 = tpu.memref_squeeze %dma_start3A_36 : memref<1x1x128x32xf32, #tpu.memory_space<vmem>> -> memref<128x32xf32, #tpu.memory_space<vmem>>
    %dma_start3A_38 = arith.constant 928 : i32
    %dma_start3A_39 = tpu.memref_slice %arg2[%add3A_4, %dma_start3A_38] : memref<16384x3200xf32, #tpu.memory_space<hbm>> -> memref<128x32xf32, #tpu.memory_space<hbm>>
    %dma_start3A_40 = arith.constant 0 : i32
    %dma_start3A_41 = arith.constant 64 : i32
    %dma_start3A_42 = tpu.memref_slice %arg4[%dma_start3A_32, %dma_start3A_33, %dma_start3A_40, %dma_start3A_41] : memref<2x1x128x160xf32, #tpu.memory_space<vmem>> -> memref<1x1x128x32xf32, #tpu.memory_space<vmem>>
    %dma_start3A_43 = tpu.memref_squeeze %dma_start3A_42 : memref<1x1x128x32xf32, #tpu.memory_space<vmem>> -> memref<128x32xf32, #tpu.memory_space<vmem>>
    %dma_start3A_44 = arith.constant 928 : i32
    %dma_start3A_45 = tpu.memref_slice %arg2[%add3A_4, %dma_start3A_44] : memref<16384x3200xf32, #tpu.memory_space<hbm>> -> memref<128x32xf32, #tpu.memory_space<hbm>>
    tpu.enqueue_dma source(%dma_start3A_45 : memref<128x32xf32, #tpu.memory_space<hbm>>) target(%dma_start3A_43 : memref<128x32xf32, #tpu.memory_space<vmem>>) target_semaphore(%arg5 : memref<!tpu.dma_semaphore, #tpu.memory_space<semaphore_mem>>)
    %dma_start3A_46 = arith.constant 0 : i32
    %dma_start3A_47 = arith.constant 0 : i32
    %dma_start3A_48 = arith.constant 0 : i32
    %dma_start3A_49 = arith.constant 96 : i32
    %dma_start3A_50 = tpu.memref_slice %arg4[%dma_start3A_46, %dma_start3A_47, %dma_start3A_48, %dma_start3A_49] : memref<2x1x128x160xf32, #tpu.memory_space<vmem>> -> memref<1x1x128x32xf32, #tpu.memory_space<vmem>>
    %dma_start3A_51 = tpu.memref_squeeze %dma_start3A_50 : memref<1x1x128x32xf32, #tpu.memory_space<vmem>> -> memref<128x32xf32, #tpu.memory_space<vmem>>
    %dma_start3A_52 = arith.constant 1248 : i32
    %dma_start3A_53 = tpu.memref_slice %arg2[%add3A_4, %dma_start3A_52] : memref<16384x3200xf32, #tpu.memory_space<hbm>> -> memref<128x32xf32, #tpu.memory_space<hbm>>
    %dma_start3A_54 = arith.constant 0 : i32
    %dma_start3A_55 = arith.constant 96 : i32
    %dma_start3A_56 = tpu.memref_slice %arg4[%dma_start3A_46, %dma_start3A_47, %dma_start3A_54, %dma_start3A_55] : memref<2x1x128x160xf32, #tpu.memory_space<vmem>> -> memref<1x1x128x32xf32, #tpu.memory_space<vmem>>
    %dma_start3A_57 = tpu.memref_squeeze %dma_start3A_56 : memref<1x1x128x32xf32, #tpu.memory_space<vmem>> -> memref<128x32xf32, #tpu.memory_space<vmem>>
    %dma_start3A_58 = arith.constant 1248 : i32
    %dma_start3A_59 = tpu.memref_slice %arg2[%add3A_4, %dma_start3A_58] : memref<16384x3200xf32, #tpu.memory_space<hbm>> -> memref<128x32xf32, #tpu.memory_space<hbm>>
    tpu.enqueue_dma source(%dma_start3A_59 : memref<128x32xf32, #tpu.memory_space<hbm>>) target(%dma_start3A_57 : memref<128x32xf32, #tpu.memory_space<vmem>>) target_semaphore(%arg5 : memref<!tpu.dma_semaphore, #tpu.memory_space<semaphore_mem>>)
    %dma_start3A_60 = arith.constant 0 : i32
    %dma_start3A_61 = arith.constant 0 : i32
    %dma_start3A_62 = arith.constant 0 : i32
    %dma_start3A_63 = arith.constant 128 : i32
    %dma_start3A_64 = tpu.memref_slice %arg4[%dma_start3A_60, %dma_start3A_61, %dma_start3A_62, %dma_start3A_63] : memref<2x1x128x160xf32, #tpu.memory_space<vmem>> -> memref<1x1x128x32xf32, #tpu.memory_space<vmem>>
    %dma_start3A_65 = tpu.memref_squeeze %dma_start3A_64 : memref<1x1x128x32xf32, #tpu.memory_space<vmem>> -> memref<128x32xf32, #tpu.memory_space<vmem>>
    %dma_start3A_66 = arith.constant 1568 : i32
    %dma_start3A_67 = tpu.memref_slice %arg2[%add3A_4, %dma_start3A_66] : memref<16384x3200xf32, #tpu.memory_space<hbm>> -> memref<128x32xf32, #tpu.memory_space<hbm>>
    %dma_start3A_68 = arith.constant 0 : i32
    %dma_start3A_69 = arith.constant 128 : i32
    %dma_start3A_70 = tpu.memref_slice %arg4[%dma_start3A_60, %dma_start3A_61, %dma_start3A_68, %dma_start3A_69] : memref<2x1x128x160xf32, #tpu.memory_space<vmem>> -> memref<1x1x128x32xf32, #tpu.memory_space<vmem>>
    %dma_start3A_71 = tpu.memref_squeeze %dma_start3A_70 : memref<1x1x128x32xf32, #tpu.memory_space<vmem>> -> memref<128x32xf32, #tpu.memory_space<vmem>>
    %dma_start3A_72 = arith.constant 1568 : i32
    %dma_start3A_73 = tpu.memref_slice %arg2[%add3A_4, %dma_start3A_72] : memref<16384x3200xf32, #tpu.memory_space<hbm>> -> memref<128x32xf32, #tpu.memory_space<hbm>>
    tpu.enqueue_dma source(%dma_start3A_73 : memref<128x32xf32, #tpu.memory_space<hbm>>) target(%dma_start3A_71 : memref<128x32xf32, #tpu.memory_space<vmem>>) target_semaphore(%arg5 : memref<!tpu.dma_semaphore, #tpu.memory_space<semaphore_mem>>)
    %add3A_74 = arith.constant 128 : i32
    %add3A_75 = arith.addi %mul3A_2, %add3A_74 : i32
    %dma_start3A_76 = arith.constant 1 : i32
    %dma_start3A_77 = arith.constant 0 : i32
    %dma_start3A_78 = arith.constant 0 : i32
    %dma_start3A_79 = arith.constant 0 : i32
    %dma_start3A_80 = tpu.memref_slice %arg4[%dma_start3A_76, %dma_start3A_77, %dma_start3A_78, %dma_start3A_79] : memref<2x1x128x160xf32, #tpu.memory_space<vmem>> -> memref<1x1x128x32xf32, #tpu.memory_space<vmem>>
    %dma_start3A_81 = tpu.memref_squeeze %dma_start3A_80 : memref<1x1x128x32xf32, #tpu.memory_space<vmem>> -> memref<128x32xf32, #tpu.memory_space<vmem>>
    %dma_start3A_82 = arith.constant 288 : i32
    %dma_start3A_83 = tpu.memref_slice %arg2[%add3A_75, %dma_start3A_82] : memref<16384x3200xf32, #tpu.memory_space<hbm>> -> memref<128x32xf32, #tpu.memory_space<hbm>>
    %dma_start3A_84 = arith.constant 0 : i32
    %dma_start3A_85 = arith.constant 0 : i32
    %dma_start3A_86 = tpu.memref_slice %arg4[%dma_start3A_76, %dma_start3A_77, %dma_start3A_84, %dma_start3A_85] : memref<2x1x128x160xf32, #tpu.memory_space<vmem>> -> memref<1x1x128x32xf32, #tpu.memory_space<vmem>>
    %dma_start3A_87 = tpu.memref_squeeze %dma_start3A_86 : memref<1x1x128x32xf32, #tpu.memory_space<vmem>> -> memref<128x32xf32, #tpu.memory_space<vmem>>
    %dma_start3A_88 = arith.constant 288 : i32
    %dma_start3A_89 = tpu.memref_slice %arg2[%add3A_75, %dma_start3A_88] : memref<16384x3200xf32, #tpu.memory_space<hbm>> -> memref<128x32xf32, #tpu.memory_space<hbm>>
    tpu.enqueue_dma source(%dma_start3A_89 : memref<128x32xf32, #tpu.memory_space<hbm>>) target(%dma_start3A_87 : memref<128x32xf32, #tpu.memory_space<vmem>>) target_semaphore(%arg6 : memref<!tpu.dma_semaphore, #tpu.memory_space<semaphore_mem>>)
    %dma_start3A_90 = arith.constant 1 : i32
    %dma_start3A_91 = arith.constant 0 : i32
    %dma_start3A_92 = arith.constant 0 : i32
    %dma_start3A_93 = arith.constant 32 : i32
    %dma_start3A_94 = tpu.memref_slice %arg4[%dma_start3A_90, %dma_start3A_91, %dma_start3A_92, %dma_start3A_93] : memref<2x1x128x160xf32, #tpu.memory_space<vmem>> -> memref<1x1x128x32xf32, #tpu.memory_space<vmem>>
    %dma_start3A_95 = tpu.memref_squeeze %dma_start3A_94 : memref<1x1x128x32xf32, #tpu.memory_space<vmem>> -> memref<128x32xf32, #tpu.memory_space<vmem>>
    %dma_start3A_96 = arith.constant 608 : i32
    %dma_start3A_97 = tpu.memref_slice %arg2[%add3A_75, %dma_start3A_96] : memref<16384x3200xf32, #tpu.memory_space<hbm>> -> memref<128x32xf32, #tpu.memory_space<hbm>>
    %dma_start3A_98 = arith.constant 0 : i32
    %dma_start3A_99 = arith.constant 32 : i32
    %dma_start3A_100 = tpu.memref_slice %arg4[%dma_start3A_90, %dma_start3A_91, %dma_start3A_98, %dma_start3A_99] : memref<2x1x128x160xf32, #tpu.memory_space<vmem>> -> memref<1x1x128x32xf32, #tpu.memory_space<vmem>>
    %dma_start3A_101 = tpu.memref_squeeze %dma_start3A_100 : memref<1x1x128x32xf32, #tpu.memory_space<vmem>> -> memref<128x32xf32, #tpu.memory_space<vmem>>
    %dma_start3A_102 = arith.constant 608 : i32
    %dma_start3A_103 = tpu.memref_slice %arg2[%add3A_75, %dma_start3A_102] : memref<16384x3200xf32, #tpu.memory_space<hbm>> -> memref<128x32xf32, #tpu.memory_space<hbm>>
    tpu.enqueue_dma source(%dma_start3A_103 : memref<128x32xf32, #tpu.memory_space<hbm>>) target(%dma_start3A_101 : memref<128x32xf32, #tpu.memory_space<vmem>>) target_semaphore(%arg6 : memref<!tpu.dma_semaphore, #tpu.memory_space<semaphore_mem>>)
    %dma_start3A_104 = arith.constant 1 : i32
    %dma_start3A_105 = arith.constant 0 : i32
    %dma_start3A_106 = arith.constant 0 : i32
    %dma_start3A_107 = arith.constant 64 : i32
    %dma_start3A_108 = tpu.memref_slice %arg4[%dma_start3A_104, %dma_start3A_105, %dma_start3A_106, %dma_start3A_107] : memref<2x1x128x160xf32, #tpu.memory_space<vmem>> -> memref<1x1x128x32xf32, #tpu.memory_space<vmem>>
    %dma_start3A_109 = tpu.memref_squeeze %dma_start3A_108 : memref<1x1x128x32xf32, #tpu.memory_space<vmem>> -> memref<128x32xf32, #tpu.memory_space<vmem>>
    %dma_start3A_110 = arith.constant 928 : i32
    %dma_start3A_111 = tpu.memref_slice %arg2[%add3A_75, %dma_start3A_110] : memref<16384x3200xf32, #tpu.memory_space<hbm>> -> memref<128x32xf32, #tpu.memory_space<hbm>>
    %dma_start3A_112 = arith.constant 0 : i32
    %dma_start3A_113 = arith.constant 64 : i32
    %dma_start3A_114 = tpu.memref_slice %arg4[%dma_start3A_104, %dma_start3A_105, %dma_start3A_112, %dma_start3A_113] : memref<2x1x128x160xf32, #tpu.memory_space<vmem>> -> memref<1x1x128x32xf32, #tpu.memory_space<vmem>>
    %dma_start3A_115 = tpu.memref_squeeze %dma_start3A_114 : memref<1x1x128x32xf32, #tpu.memory_space<vmem>> -> memref<128x32xf32, #tpu.memory_space<vmem>>
    %dma_start3A_116 = arith.constant 928 : i32
    %dma_start3A_117 = tpu.memref_slice %arg2[%add3A_75, %dma_start3A_116] : memref<16384x3200xf32, #tpu.memory_space<hbm>> -> memref<128x32xf32, #tpu.memory_space<hbm>>
    tpu.enqueue_dma source(%dma_start3A_117 : memref<128x32xf32, #tpu.memory_space<hbm>>) target(%dma_start3A_115 : memref<128x32xf32, #tpu.memory_space<vmem>>) target_semaphore(%arg6 : memref<!tpu.dma_semaphore, #tpu.memory_space<semaphore_mem>>)
    %dma_start3A_118 = arith.constant 1 : i32
    %dma_start3A_119 = arith.constant 0 : i32
    %dma_start3A_120 = arith.constant 0 : i32
    %dma_start3A_121 = arith.constant 96 : i32
    %dma_start3A_122 = tpu.memref_slice %arg4[%dma_start3A_118, %dma_start3A_119, %dma_start3A_120, %dma_start3A_121] : memref<2x1x128x160xf32, #tpu.memory_space<vmem>> -> memref<1x1x128x32xf32, #tpu.memory_space<vmem>>
    %dma_start3A_123 = tpu.memref_squeeze %dma_start3A_122 : memref<1x1x128x32xf32, #tpu.memory_space<vmem>> -> memref<128x32xf32, #tpu.memory_space<vmem>>
    %dma_start3A_124 = arith.constant 1248 : i32
    %dma_start3A_125 = tpu.memref_slice %arg2[%add3A_75, %dma_start3A_124] : memref<16384x3200xf32, #tpu.memory_space<hbm>> -> memref<128x32xf32, #tpu.memory_space<hbm>>
    %dma_start3A_126 = arith.constant 0 : i32
    %dma_start3A_127 = arith.constant 96 : i32
    %dma_start3A_128 = tpu.memref_slice %arg4[%dma_start3A_118, %dma_start3A_119, %dma_start3A_126, %dma_start3A_127] : memref<2x1x128x160xf32, #tpu.memory_space<vmem>> -> memref<1x1x128x32xf32, #tpu.memory_space<vmem>>
    %dma_start3A_129 = tpu.memref_squeeze %dma_start3A_128 : memref<1x1x128x32xf32, #tpu.memory_space<vmem>> -> memref<128x32xf32, #tpu.memory_space<vmem>>
    %dma_start3A_130 = arith.constant 1248 : i32
    %dma_start3A_131 = tpu.memref_slice %arg2[%add3A_75, %dma_start3A_130] : memref<16384x3200xf32, #tpu.memory_space<hbm>> -> memref<128x32xf32, #tpu.memory_space<hbm>>
    tpu.enqueue_dma source(%dma_start3A_131 : memref<128x32xf32, #tpu.memory_space<hbm>>) target(%dma_start3A_129 : memref<128x32xf32, #tpu.memory_space<vmem>>) target_semaphore(%arg6 : memref<!tpu.dma_semaphore, #tpu.memory_space<semaphore_mem>>)
    %dma_start3A_132 = arith.constant 1 : i32
    %dma_start3A_133 = arith.constant 0 : i32
    %dma_start3A_134 = arith.constant 0 : i32
    %dma_start3A_135 = arith.constant 128 : i32
    %dma_start3A_136 = tpu.memref_slice %arg4[%dma_start3A_132, %dma_start3A_133, %dma_start3A_134, %dma_start3A_135] : memref<2x1x128x160xf32, #tpu.memory_space<vmem>> -> memref<1x1x128x32xf32, #tpu.memory_space<vmem>>
    %dma_start3A_137 = tpu.memref_squeeze %dma_start3A_136 : memref<1x1x128x32xf32, #tpu.memory_space<vmem>> -> memref<128x32xf32, #tpu.memory_space<vmem>>
    %dma_start3A_138 = arith.constant 1568 : i32
    %dma_start3A_139 = tpu.memref_slice %arg2[%add3A_75, %dma_start3A_138] : memref<16384x3200xf32, #tpu.memory_space<hbm>> -> memref<128x32xf32, #tpu.memory_space<hbm>>
    %dma_start3A_140 = arith.constant 0 : i32
    %dma_start3A_141 = arith.constant 128 : i32
    %dma_start3A_142 = tpu.memref_slice %arg4[%dma_start3A_132, %dma_start3A_133, %dma_start3A_140, %dma_start3A_141] : memref<2x1x128x160xf32, #tpu.memory_space<vmem>> -> memref<1x1x128x32xf32, #tpu.memory_space<vmem>>
    %dma_start3A_143 = tpu.memref_squeeze %dma_start3A_142 : memref<1x1x128x32xf32, #tpu.memory_space<vmem>> -> memref<128x32xf32, #tpu.memory_space<vmem>>
    %dma_start3A_144 = arith.constant 1568 : i32
    %dma_start3A_145 = tpu.memref_slice %arg2[%add3A_75, %dma_start3A_144] : memref<16384x3200xf32, #tpu.memory_space<hbm>> -> memref<128x32xf32, #tpu.memory_space<hbm>>
    tpu.enqueue_dma source(%dma_start3A_145 : memref<128x32xf32, #tpu.memory_space<hbm>>) target(%dma_start3A_143 : memref<128x32xf32, #tpu.memory_space<vmem>>) target_semaphore(%arg6 : memref<!tpu.dma_semaphore, #tpu.memory_space<semaphore_mem>>)
    %add3A_146 = arith.constant 0 : i32
    %add3A_147 = arith.addi %mul3A_2, %add3A_146 : i32
    %dma_wait3A = arith.constant 0 : i32
    %dma_wait3A_148 = arith.constant 0 : i32
    %dma_wait3A_149 = arith.constant 0 : i32
    %dma_wait3A_150 = arith.constant 0 : i32
    %dma_wait3A_151 = tpu.memref_slice %arg4[%dma_wait3A, %dma_wait3A_148, %dma_wait3A_149, %dma_wait3A_150] : memref<2x1x128x160xf32, #tpu.memory_space<vmem>> -> memref<1x1x128x32xf32, #tpu.memory_space<vmem>>
    %dma_wait3A_152 = tpu.memref_squeeze %dma_wait3A_151 : memref<1x1x128x32xf32, #tpu.memory_space<vmem>> -> memref<128x32xf32, #tpu.memory_space<vmem>>
    %dma_wait3A_153 = arith.constant 288 : i32
    %dma_wait3A_154 = tpu.memref_slice %arg2[%add3A_147, %dma_wait3A_153] : memref<16384x3200xf32, #tpu.memory_space<hbm>> -> memref<128x32xf32, #tpu.memory_space<hbm>>
    %dma_wait3A_155 = arith.constant 0 : i32
    %dma_wait3A_156 = arith.constant 0 : i32
    %dma_wait3A_157 = tpu.memref_slice %arg4[%dma_wait3A, %dma_wait3A_148, %dma_wait3A_155, %dma_wait3A_156] : memref<2x1x128x160xf32, #tpu.memory_space<vmem>> -> memref<1x1x128x32xf32, #tpu.memory_space<vmem>>
    %dma_wait3A_158 = tpu.memref_squeeze %dma_wait3A_157 : memref<1x1x128x32xf32, #tpu.memory_space<vmem>> -> memref<128x32xf32, #tpu.memory_space<vmem>>
    %dma_wait3A_159 = arith.constant 288 : i32
    %dma_wait3A_160 = tpu.memref_slice %arg2[%add3A_147, %dma_wait3A_159] : memref<16384x3200xf32, #tpu.memory_space<hbm>> -> memref<128x32xf32, #tpu.memory_space<hbm>>
    tpu.wait_dma2 semaphore(%arg5 : memref<!tpu.dma_semaphore, #tpu.memory_space<semaphore_mem>>) src(%dma_wait3A_160 : memref<128x32xf32, #tpu.memory_space<hbm>>) dst(%dma_wait3A_158 : memref<128x32xf32, #tpu.memory_space<vmem>>)
    %dma_wait3A_161 = arith.constant 0 : i32
    %dma_wait3A_162 = arith.constant 0 : i32
    %dma_wait3A_163 = arith.constant 0 : i32
    %dma_wait3A_164 = arith.constant 32 : i32
    %dma_wait3A_165 = tpu.memref_slice %arg4[%dma_wait3A_161, %dma_wait3A_162, %dma_wait3A_163, %dma_wait3A_164] : memref<2x1x128x160xf32, #tpu.memory_space<vmem>> -> memref<1x1x128x32xf32, #tpu.memory_space<vmem>>
    %dma_wait3A_166 = tpu.memref_squeeze %dma_wait3A_165 : memref<1x1x128x32xf32, #tpu.memory_space<vmem>> -> memref<128x32xf32, #tpu.memory_space<vmem>>
    %dma_wait3A_167 = arith.constant 608 : i32
    %dma_wait3A_168 = tpu.memref_slice %arg2[%add3A_147, %dma_wait3A_167] : memref<16384x3200xf32, #tpu.memory_space<hbm>> -> memref<128x32xf32, #tpu.memory_space<hbm>>
    %dma_wait3A_169 = arith.constant 0 : i32
    %dma_wait3A_170 = arith.constant 32 : i32
    %dma_wait3A_171 = tpu.memref_slice %arg4[%dma_wait3A_161, %dma_wait3A_162, %dma_wait3A_169, %dma_wait3A_170] : memref<2x1x128x160xf32, #tpu.memory_space<vmem>> -> memref<1x1x128x32xf32, #tpu.memory_space<vmem>>
    %dma_wait3A_172 = tpu.memref_squeeze %dma_wait3A_171 : memref<1x1x128x32xf32, #tpu.memory_space<vmem>> -> memref<128x32xf32, #tpu.memory_space<vmem>>
    %dma_wait3A_173 = arith.constant 608 : i32
    %dma_wait3A_174 = tpu.memref_slice %arg2[%add3A_147, %dma_wait3A_173] : memref<16384x3200xf32, #tpu.memory_space<hbm>> -> memref<128x32xf32, #tpu.memory_space<hbm>>
    tpu.wait_dma2 semaphore(%arg5 : memref<!tpu.dma_semaphore, #tpu.memory_space<semaphore_mem>>) src(%dma_wait3A_174 : memref<128x32xf32, #tpu.memory_space<hbm>>) dst(%dma_wait3A_172 : memref<128x32xf32, #tpu.memory_space<vmem>>)
    %dma_wait3A_175 = arith.constant 0 : i32
    %dma_wait3A_176 = arith.constant 0 : i32
    %dma_wait3A_177 = arith.constant 0 : i32
    %dma_wait3A_178 = arith.constant 64 : i32
    %dma_wait3A_179 = tpu.memref_slice %arg4[%dma_wait3A_175, %dma_wait3A_176, %dma_wait3A_177, %dma_wait3A_178] : memref<2x1x128x160xf32, #tpu.memory_space<vmem>> -> memref<1x1x128x32xf32, #tpu.memory_space<vmem>>
    %dma_wait3A_180 = tpu.memref_squeeze %dma_wait3A_179 : memref<1x1x128x32xf32, #tpu.memory_space<vmem>> -> memref<128x32xf32, #tpu.memory_space<vmem>>
    %dma_wait3A_181 = arith.constant 928 : i32
    %dma_wait3A_182 = tpu.memref_slice %arg2[%add3A_147, %dma_wait3A_181] : memref<16384x3200xf32, #tpu.memory_space<hbm>> -> memref<128x32xf32, #tpu.memory_space<hbm>>
    %dma_wait3A_183 = arith.constant 0 : i32
    %dma_wait3A_184 = arith.constant 64 : i32
    %dma_wait3A_185 = tpu.memref_slice %arg4[%dma_wait3A_175, %dma_wait3A_176, %dma_wait3A_183, %dma_wait3A_184] : memref<2x1x128x160xf32, #tpu.memory_space<vmem>> -> memref<1x1x128x32xf32, #tpu.memory_space<vmem>>
    %dma_wait3A_186 = tpu.memref_squeeze %dma_wait3A_185 : memref<1x1x128x32xf32, #tpu.memory_space<vmem>> -> memref<128x32xf32, #tpu.memory_space<vmem>>
    %dma_wait3A_187 = arith.constant 928 : i32
    %dma_wait3A_188 = tpu.memref_slice %arg2[%add3A_147, %dma_wait3A_187] : memref<16384x3200xf32, #tpu.memory_space<hbm>> -> memref<128x32xf32, #tpu.memory_space<hbm>>
    tpu.wait_dma2 semaphore(%arg5 : memref<!tpu.dma_semaphore, #tpu.memory_space<semaphore_mem>>) src(%dma_wait3A_188 : memref<128x32xf32, #tpu.memory_space<hbm>>) dst(%dma_wait3A_186 : memref<128x32xf32, #tpu.memory_space<vmem>>)
    %dma_wait3A_189 = arith.constant 0 : i32
    %dma_wait3A_190 = arith.constant 0 : i32
    %dma_wait3A_191 = arith.constant 0 : i32
    %dma_wait3A_192 = arith.constant 96 : i32
    %dma_wait3A_193 = tpu.memref_slice %arg4[%dma_wait3A_189, %dma_wait3A_190, %dma_wait3A_191, %dma_wait3A_192] : memref<2x1x128x160xf32, #tpu.memory_space<vmem>> -> memref<1x1x128x32xf32, #tpu.memory_space<vmem>>
    %dma_wait3A_194 = tpu.memref_squeeze %dma_wait3A_193 : memref<1x1x128x32xf32, #tpu.memory_space<vmem>> -> memref<128x32xf32, #tpu.memory_space<vmem>>
    %dma_wait3A_195 = arith.constant 1248 : i32
    %dma_wait3A_196 = tpu.memref_slice %arg2[%add3A_147, %dma_wait3A_195] : memref<16384x3200xf32, #tpu.memory_space<hbm>> -> memref<128x32xf32, #tpu.memory_space<hbm>>
    %dma_wait3A_197 = arith.constant 0 : i32
    %dma_wait3A_198 = arith.constant 96 : i32
    %dma_wait3A_199 = tpu.memref_slice %arg4[%dma_wait3A_189, %dma_wait3A_190, %dma_wait3A_197, %dma_wait3A_198] : memref<2x1x128x160xf32, #tpu.memory_space<vmem>> -> memref<1x1x128x32xf32, #tpu.memory_space<vmem>>
    %dma_wait3A_200 = tpu.memref_squeeze %dma_wait3A_199 : memref<1x1x128x32xf32, #tpu.memory_space<vmem>> -> memref<128x32xf32, #tpu.memory_space<vmem>>
    %dma_wait3A_201 = arith.constant 1248 : i32
    %dma_wait3A_202 = tpu.memref_slice %arg2[%add3A_147, %dma_wait3A_201] : memref<16384x3200xf32, #tpu.memory_space<hbm>> -> memref<128x32xf32, #tpu.memory_space<hbm>>
    tpu.wait_dma2 semaphore(%arg5 : memref<!tpu.dma_semaphore, #tpu.memory_space<semaphore_mem>>) src(%dma_wait3A_202 : memref<128x32xf32, #tpu.memory_space<hbm>>) dst(%dma_wait3A_200 : memref<128x32xf32, #tpu.memory_space<vmem>>)
    %dma_wait3A_203 = arith.constant 0 : i32
    %dma_wait3A_204 = arith.constant 0 : i32
    %dma_wait3A_205 = arith.constant 0 : i32
    %dma_wait3A_206 = arith.constant 128 : i32
    %dma_wait3A_207 = tpu.memref_slice %arg4[%dma_wait3A_203, %dma_wait3A_204, %dma_wait3A_205, %dma_wait3A_206] : memref<2x1x128x160xf32, #tpu.memory_space<vmem>> -> memref<1x1x128x32xf32, #tpu.memory_space<vmem>>
    %dma_wait3A_208 = tpu.memref_squeeze %dma_wait3A_207 : memref<1x1x128x32xf32, #tpu.memory_space<vmem>> -> memref<128x32xf32, #tpu.memory_space<vmem>>
    %dma_wait3A_209 = arith.constant 1568 : i32
    %dma_wait3A_210 = tpu.memref_slice %arg2[%add3A_147, %dma_wait3A_209] : memref<16384x3200xf32, #tpu.memory_space<hbm>> -> memref<128x32xf32, #tpu.memory_space<hbm>>
    %dma_wait3A_211 = arith.constant 0 : i32
    %dma_wait3A_212 = arith.constant 128 : i32
    %dma_wait3A_213 = tpu.memref_slice %arg4[%dma_wait3A_203, %dma_wait3A_204, %dma_wait3A_211, %dma_wait3A_212] : memref<2x1x128x160xf32, #tpu.memory_space<vmem>> -> memref<1x1x128x32xf32, #tpu.memory_space<vmem>>
    %dma_wait3A_214 = tpu.memref_squeeze %dma_wait3A_213 : memref<1x1x128x32xf32, #tpu.memory_space<vmem>> -> memref<128x32xf32, #tpu.memory_space<vmem>>
    %dma_wait3A_215 = arith.constant 1568 : i32
    %dma_wait3A_216 = tpu.memref_slice %arg2[%add3A_147, %dma_wait3A_215] : memref<16384x3200xf32, #tpu.memory_space<hbm>> -> memref<128x32xf32, #tpu.memory_space<hbm>>
    tpu.wait_dma2 semaphore(%arg5 : memref<!tpu.dma_semaphore, #tpu.memory_space<semaphore_mem>>) src(%dma_wait3A_216 : memref<128x32xf32, #tpu.memory_space<hbm>>) dst(%dma_wait3A_214 : memref<128x32xf32, #tpu.memory_space<vmem>>)
    %add3A_217 = arith.constant 0 : i32
    %add3A_218 = arith.addi %mul3A_2, %add3A_217 : i32
    %dma_start3A_219 = arith.constant 0 : i32
    %dma_start3A_220 = arith.constant 0 : i32
    %dma_start3A_221 = arith.constant 0 : i32
    %dma_start3A_222 = arith.constant 0 : i32
    %dma_start3A_223 = tpu.memref_slice %arg4[%dma_start3A_219, %dma_start3A_220, %dma_start3A_221, %dma_start3A_222] : memref<2x1x128x160xf32, #tpu.memory_space<vmem>> -> memref<1x1x128x160xf32, #tpu.memory_space<vmem>>
    %dma_start3A_224 = tpu.memref_squeeze %dma_start3A_223 : memref<1x1x128x160xf32, #tpu.memory_space<vmem>> -> memref<128x160xf32, #tpu.memory_space<vmem>>
    %dma_start3A_225 = arith.constant 0 : i32
    %dma_start3A_226 = tpu.memref_slice %arg3[%add3A_218, %dma_start3A_225] : memref<16384x160xf32, #tpu.memory_space<hbm>> -> memref<128x160xf32, #tpu.memory_space<hbm>>
    %dma_start3A_227 = arith.constant 0 : i32
    %dma_start3A_228 = tpu.memref_slice %arg3[%add3A_218, %dma_start3A_227] : memref<16384x160xf32, #tpu.memory_space<hbm>> -> memref<128x160xf32, #tpu.memory_space<hbm>>
    %dma_start3A_229 = arith.constant 0 : i32
    %dma_start3A_230 = arith.constant 0 : i32
    %dma_start3A_231 = tpu.memref_slice %arg4[%dma_start3A_219, %dma_start3A_220, %dma_start3A_229, %dma_start3A_230] : memref<2x1x128x160xf32, #tpu.memory_space<vmem>> -> memref<1x1x128x160xf32, #tpu.memory_space<vmem>>
    %dma_start3A_232 = tpu.memref_squeeze %dma_start3A_231 : memref<1x1x128x160xf32, #tpu.memory_space<vmem>> -> memref<128x160xf32, #tpu.memory_space<vmem>>
    tpu.enqueue_dma source(%dma_start3A_232 : memref<128x160xf32, #tpu.memory_space<vmem>>) target(%dma_start3A_228 : memref<128x160xf32, #tpu.memory_space<hbm>>) target_semaphore(%arg7 : memref<!tpu.dma_semaphore, #tpu.memory_space<semaphore_mem>>)
    %add3A_233 = arith.constant 256 : i32
    %add3A_234 = arith.addi %mul3A_2, %add3A_233 : i32
    %dma_start3A_235 = arith.constant 0 : i32
    %dma_start3A_236 = arith.constant 0 : i32
    %dma_start3A_237 = arith.constant 0 : i32
    %dma_start3A_238 = arith.constant 0 : i32
    %dma_start3A_239 = tpu.memref_slice %arg4[%dma_start3A_235, %dma_start3A_236, %dma_start3A_237, %dma_start3A_238] : memref<2x1x128x160xf32, #tpu.memory_space<vmem>> -> memref<1x1x128x32xf32, #tpu.memory_space<vmem>>
    %dma_start3A_240 = tpu.memref_squeeze %dma_start3A_239 : memref<1x1x128x32xf32, #tpu.memory_space<vmem>> -> memref<128x32xf32, #tpu.memory_space<vmem>>
    %dma_start3A_241 = arith.constant 288 : i32
    %dma_start3A_242 = tpu.memref_slice %arg2[%add3A_234, %dma_start3A_241] : memref<16384x3200xf32, #tpu.memory_space<hbm>> -> memref<128x32xf32, #tpu.memory_space<hbm>>
    %dma_start3A_243 = arith.constant 0 : i32
    %dma_start3A_244 = arith.constant 0 : i32
    %dma_start3A_245 = tpu.memref_slice %arg4[%dma_start3A_235, %dma_start3A_236, %dma_start3A_243, %dma_start3A_244] : memref<2x1x128x160xf32, #tpu.memory_space<vmem>> -> memref<1x1x128x32xf32, #tpu.memory_space<vmem>>
    %dma_start3A_246 = tpu.memref_squeeze %dma_start3A_245 : memref<1x1x128x32xf32, #tpu.memory_space<vmem>> -> memref<128x32xf32, #tpu.memory_space<vmem>>
    %dma_start3A_247 = arith.constant 288 : i32
    %dma_start3A_248 = tpu.memref_slice %arg2[%add3A_234, %dma_start3A_247] : memref<16384x3200xf32, #tpu.memory_space<hbm>> -> memref<128x32xf32, #tpu.memory_space<hbm>>
    tpu.enqueue_dma source(%dma_start3A_248 : memref<128x32xf32, #tpu.memory_space<hbm>>) target(%dma_start3A_246 : memref<128x32xf32, #tpu.memory_space<vmem>>) target_semaphore(%arg5 : memref<!tpu.dma_semaphore, #tpu.memory_space<semaphore_mem>>)
    %dma_start3A_249 = arith.constant 0 : i32
    %dma_start3A_250 = arith.constant 0 : i32
    %dma_start3A_251 = arith.constant 0 : i32
    %dma_start3A_252 = arith.constant 32 : i32
    %dma_start3A_253 = tpu.memref_slice %arg4[%dma_start3A_249, %dma_start3A_250, %dma_start3A_251, %dma_start3A_252] : memref<2x1x128x160xf32, #tpu.memory_space<vmem>> -> memref<1x1x128x32xf32, #tpu.memory_space<vmem>>
    %dma_start3A_254 = tpu.memref_squeeze %dma_start3A_253 : memref<1x1x128x32xf32, #tpu.memory_space<vmem>> -> memref<128x32xf32, #tpu.memory_space<vmem>>
    %dma_start3A_255 = arith.constant 608 : i32
    %dma_start3A_256 = tpu.memref_slice %arg2[%add3A_234, %dma_start3A_255] : memref<16384x3200xf32, #tpu.memory_space<hbm>> -> memref<128x32xf32, #tpu.memory_space<hbm>>
    %dma_start3A_257 = arith.constant 0 : i32
    %dma_start3A_258 = arith.constant 32 : i32
    %dma_start3A_259 = tpu.memref_slice %arg4[%dma_start3A_249, %dma_start3A_250, %dma_start3A_257, %dma_start3A_258] : memref<2x1x128x160xf32, #tpu.memory_space<vmem>> -> memref<1x1x128x32xf32, #tpu.memory_space<vmem>>
    %dma_start3A_260 = tpu.memref_squeeze %dma_start3A_259 : memref<1x1x128x32xf32, #tpu.memory_space<vmem>> -> memref<128x32xf32, #tpu.memory_space<vmem>>
    %dma_start3A_261 = arith.constant 608 : i32
    %dma_start3A_262 = tpu.memref_slice %arg2[%add3A_234, %dma_start3A_261] : memref<16384x3200xf32, #tpu.memory_space<hbm>> -> memref<128x32xf32, #tpu.memory_space<hbm>>
    tpu.enqueue_dma source(%dma_start3A_262 : memref<128x32xf32, #tpu.memory_space<hbm>>) target(%dma_start3A_260 : memref<128x32xf32, #tpu.memory_space<vmem>>) target_semaphore(%arg5 : memref<!tpu.dma_semaphore, #tpu.memory_space<semaphore_mem>>)
    %dma_start3A_263 = arith.constant 0 : i32
    %dma_start3A_264 = arith.constant 0 : i32
    %dma_start3A_265 = arith.constant 0 : i32
    %dma_start3A_266 = arith.constant 64 : i32
    %dma_start3A_267 = tpu.memref_slice %arg4[%dma_start3A_263, %dma_start3A_264, %dma_start3A_265, %dma_start3A_266] : memref<2x1x128x160xf32, #tpu.memory_space<vmem>> -> memref<1x1x128x32xf32, #tpu.memory_space<vmem>>
    %dma_start3A_268 = tpu.memref_squeeze %dma_start3A_267 : memref<1x1x128x32xf32, #tpu.memory_space<vmem>> -> memref<128x32xf32, #tpu.memory_space<vmem>>
    %dma_start3A_269 = arith.constant 928 : i32
    %dma_start3A_270 = tpu.memref_slice %arg2[%add3A_234, %dma_start3A_269] : memref<16384x3200xf32, #tpu.memory_space<hbm>> -> memref<128x32xf32, #tpu.memory_space<hbm>>
    %dma_start3A_271 = arith.constant 0 : i32
    %dma_start3A_272 = arith.constant 64 : i32
    %dma_start3A_273 = tpu.memref_slice %arg4[%dma_start3A_263, %dma_start3A_264, %dma_start3A_271, %dma_start3A_272] : memref<2x1x128x160xf32, #tpu.memory_space<vmem>> -> memref<1x1x128x32xf32, #tpu.memory_space<vmem>>
    %dma_start3A_274 = tpu.memref_squeeze %dma_start3A_273 : memref<1x1x128x32xf32, #tpu.memory_space<vmem>> -> memref<128x32xf32, #tpu.memory_space<vmem>>
    %dma_start3A_275 = arith.constant 928 : i32
    %dma_start3A_276 = tpu.memref_slice %arg2[%add3A_234, %dma_start3A_275] : memref<16384x3200xf32, #tpu.memory_space<hbm>> -> memref<128x32xf32, #tpu.memory_space<hbm>>
    tpu.enqueue_dma source(%dma_start3A_276 : memref<128x32xf32, #tpu.memory_space<hbm>>) target(%dma_start3A_274 : memref<128x32xf32, #tpu.memory_space<vmem>>) target_semaphore(%arg5 : memref<!tpu.dma_semaphore, #tpu.memory_space<semaphore_mem>>)
    %dma_start3A_277 = arith.constant 0 : i32
    %dma_start3A_278 = arith.constant 0 : i32
    %dma_start3A_279 = arith.constant 0 : i32
    %dma_start3A_280 = arith.constant 96 : i32
    %dma_start3A_281 = tpu.memref_slice %arg4[%dma_start3A_277, %dma_start3A_278, %dma_start3A_279, %dma_start3A_280] : memref<2x1x128x160xf32, #tpu.memory_space<vmem>> -> memref<1x1x128x32xf32, #tpu.memory_space<vmem>>
    %dma_start3A_282 = tpu.memref_squeeze %dma_start3A_281 : memref<1x1x128x32xf32, #tpu.memory_space<vmem>> -> memref<128x32xf32, #tpu.memory_space<vmem>>
    %dma_start3A_283 = arith.constant 1248 : i32
    %dma_start3A_284 = tpu.memref_slice %arg2[%add3A_234, %dma_start3A_283] : memref<16384x3200xf32, #tpu.memory_space<hbm>> -> memref<128x32xf32, #tpu.memory_space<hbm>>
    %dma_start3A_285 = arith.constant 0 : i32
    %dma_start3A_286 = arith.constant 96 : i32
    %dma_start3A_287 = tpu.memref_slice %arg4[%dma_start3A_277, %dma_start3A_278, %dma_start3A_285, %dma_start3A_286] : memref<2x1x128x160xf32, #tpu.memory_space<vmem>> -> memref<1x1x128x32xf32, #tpu.memory_space<vmem>>
    %dma_start3A_288 = tpu.memref_squeeze %dma_start3A_287 : memref<1x1x128x32xf32, #tpu.memory_space<vmem>> -> memref<128x32xf32, #tpu.memory_space<vmem>>
    %dma_start3A_289 = arith.constant 1248 : i32
    %dma_start3A_290 = tpu.memref_slice %arg2[%add3A_234, %dma_start3A_289] : memref<16384x3200xf32, #tpu.memory_space<hbm>> -> memref<128x32xf32, #tpu.memory_space<hbm>>
    tpu.enqueue_dma source(%dma_start3A_290 : memref<128x32xf32, #tpu.memory_space<hbm>>) target(%dma_start3A_288 : memref<128x32xf32, #tpu.memory_space<vmem>>) target_semaphore(%arg5 : memref<!tpu.dma_semaphore, #tpu.memory_space<semaphore_mem>>)
    %dma_start3A_291 = arith.constant 0 : i32
    %dma_start3A_292 = arith.constant 0 : i32
    %dma_start3A_293 = arith.constant 0 : i32
    %dma_start3A_294 = arith.constant 128 : i32
    %dma_start3A_295 = tpu.memref_slice %arg4[%dma_start3A_291, %dma_start3A_292, %dma_start3A_293, %dma_start3A_294] : memref<2x1x128x160xf32, #tpu.memory_space<vmem>> -> memref<1x1x128x32xf32, #tpu.memory_space<vmem>>
    %dma_start3A_296 = tpu.memref_squeeze %dma_start3A_295 : memref<1x1x128x32xf32, #tpu.memory_space<vmem>> -> memref<128x32xf32, #tpu.memory_space<vmem>>
    %dma_start3A_297 = arith.constant 1568 : i32
    %dma_start3A_298 = tpu.memref_slice %arg2[%add3A_234, %dma_start3A_297] : memref<16384x3200xf32, #tpu.memory_space<hbm>> -> memref<128x32xf32, #tpu.memory_space<hbm>>
    %dma_start3A_299 = arith.constant 0 : i32
    %dma_start3A_300 = arith.constant 128 : i32
    %dma_start3A_301 = tpu.memref_slice %arg4[%dma_start3A_291, %dma_start3A_292, %dma_start3A_299, %dma_start3A_300] : memref<2x1x128x160xf32, #tpu.memory_space<vmem>> -> memref<1x1x128x32xf32, #tpu.memory_space<vmem>>
    %dma_start3A_302 = tpu.memref_squeeze %dma_start3A_301 : memref<1x1x128x32xf32, #tpu.memory_space<vmem>> -> memref<128x32xf32, #tpu.memory_space<vmem>>
    %dma_start3A_303 = arith.constant 1568 : i32
    %dma_start3A_304 = tpu.memref_slice %arg2[%add3A_234, %dma_start3A_303] : memref<16384x3200xf32, #tpu.memory_space<hbm>> -> memref<128x32xf32, #tpu.memory_space<hbm>>
    tpu.enqueue_dma source(%dma_start3A_304 : memref<128x32xf32, #tpu.memory_space<hbm>>) target(%dma_start3A_302 : memref<128x32xf32, #tpu.memory_space<vmem>>) target_semaphore(%arg5 : memref<!tpu.dma_semaphore, #tpu.memory_space<semaphore_mem>>)
    %add3A_305 = arith.constant 128 : i32
    %add3A_306 = arith.addi %mul3A_2, %add3A_305 : i32
    %dma_wait3A_307 = arith.constant 1 : i32
    %dma_wait3A_308 = arith.constant 0 : i32
    %dma_wait3A_309 = arith.constant 0 : i32
    %dma_wait3A_310 = arith.constant 0 : i32
    %dma_wait3A_311 = tpu.memref_slice %arg4[%dma_wait3A_307, %dma_wait3A_308, %dma_wait3A_309, %dma_wait3A_310] : memref<2x1x128x160xf32, #tpu.memory_space<vmem>> -> memref<1x1x128x32xf32, #tpu.memory_space<vmem>>
    %dma_wait3A_312 = tpu.memref_squeeze %dma_wait3A_311 : memref<1x1x128x32xf32, #tpu.memory_space<vmem>> -> memref<128x32xf32, #tpu.memory_space<vmem>>
    %dma_wait3A_313 = arith.constant 288 : i32
    %dma_wait3A_314 = tpu.memref_slice %arg2[%add3A_306, %dma_wait3A_313] : memref<16384x3200xf32, #tpu.memory_space<hbm>> -> memref<128x32xf32, #tpu.memory_space<hbm>>
    %dma_wait3A_315 = arith.constant 0 : i32
    %dma_wait3A_316 = arith.constant 0 : i32
    %dma_wait3A_317 = tpu.memref_slice %arg4[%dma_wait3A_307, %dma_wait3A_308, %dma_wait3A_315, %dma_wait3A_316] : memref<2x1x128x160xf32, #tpu.memory_space<vmem>> -> memref<1x1x128x32xf32, #tpu.memory_space<vmem>>
    %dma_wait3A_318 = tpu.memref_squeeze %dma_wait3A_317 : memref<1x1x128x32xf32, #tpu.memory_space<vmem>> -> memref<128x32xf32, #tpu.memory_space<vmem>>
    %dma_wait3A_319 = arith.constant 288 : i32
    %dma_wait3A_320 = tpu.memref_slice %arg2[%add3A_306, %dma_wait3A_319] : memref<16384x3200xf32, #tpu.memory_space<hbm>> -> memref<128x32xf32, #tpu.memory_space<hbm>>
    tpu.wait_dma2 semaphore(%arg6 : memref<!tpu.dma_semaphore, #tpu.memory_space<semaphore_mem>>) src(%dma_wait3A_320 : memref<128x32xf32, #tpu.memory_space<hbm>>) dst(%dma_wait3A_318 : memref<128x32xf32, #tpu.memory_space<vmem>>)
    %dma_wait3A_321 = arith.constant 1 : i32
    %dma_wait3A_322 = arith.constant 0 : i32
    %dma_wait3A_323 = arith.constant 0 : i32
    %dma_wait3A_324 = arith.constant 32 : i32
    %dma_wait3A_325 = tpu.memref_slice %arg4[%dma_wait3A_321, %dma_wait3A_322, %dma_wait3A_323, %dma_wait3A_324] : memref<2x1x128x160xf32, #tpu.memory_space<vmem>> -> memref<1x1x128x32xf32, #tpu.memory_space<vmem>>
    %dma_wait3A_326 = tpu.memref_squeeze %dma_wait3A_325 : memref<1x1x128x32xf32, #tpu.memory_space<vmem>> -> memref<128x32xf32, #tpu.memory_space<vmem>>
    %dma_wait3A_327 = arith.constant 608 : i32
    %dma_wait3A_328 = tpu.memref_slice %arg2[%add3A_306, %dma_wait3A_327] : memref<16384x3200xf32, #tpu.memory_space<hbm>> -> memref<128x32xf32, #tpu.memory_space<hbm>>
    %dma_wait3A_329 = arith.constant 0 : i32
    %dma_wait3A_330 = arith.constant 32 : i32
    %dma_wait3A_331 = tpu.memref_slice %arg4[%dma_wait3A_321, %dma_wait3A_322, %dma_wait3A_329, %dma_wait3A_330] : memref<2x1x128x160xf32, #tpu.memory_space<vmem>> -> memref<1x1x128x32xf32, #tpu.memory_space<vmem>>
    %dma_wait3A_332 = tpu.memref_squeeze %dma_wait3A_331 : memref<1x1x128x32xf32, #tpu.memory_space<vmem>> -> memref<128x32xf32, #tpu.memory_space<vmem>>
    %dma_wait3A_333 = arith.constant 608 : i32
    %dma_wait3A_334 = tpu.memref_slice %arg2[%add3A_306, %dma_wait3A_333] : memref<16384x3200xf32, #tpu.memory_space<hbm>> -> memref<128x32xf32, #tpu.memory_space<hbm>>
    tpu.wait_dma2 semaphore(%arg6 : memref<!tpu.dma_semaphore, #tpu.memory_space<semaphore_mem>>) src(%dma_wait3A_334 : memref<128x32xf32, #tpu.memory_space<hbm>>) dst(%dma_wait3A_332 : memref<128x32xf32, #tpu.memory_space<vmem>>)
    %dma_wait3A_335 = arith.constant 1 : i32
    %dma_wait3A_336 = arith.constant 0 : i32
    %dma_wait3A_337 = arith.constant 0 : i32
    %dma_wait3A_338 = arith.constant 64 : i32
    %dma_wait3A_339 = tpu.memref_slice %arg4[%dma_wait3A_335, %dma_wait3A_336, %dma_wait3A_337, %dma_wait3A_338] : memref<2x1x128x160xf32, #tpu.memory_space<vmem>> -> memref<1x1x128x32xf32, #tpu.memory_space<vmem>>
    %dma_wait3A_340 = tpu.memref_squeeze %dma_wait3A_339 : memref<1x1x128x32xf32, #tpu.memory_space<vmem>> -> memref<128x32xf32, #tpu.memory_space<vmem>>
    %dma_wait3A_341 = arith.constant 928 : i32
    %dma_wait3A_342 = tpu.memref_slice %arg2[%add3A_306, %dma_wait3A_341] : memref<16384x3200xf32, #tpu.memory_space<hbm>> -> memref<128x32xf32, #tpu.memory_space<hbm>>
    %dma_wait3A_343 = arith.constant 0 : i32
    %dma_wait3A_344 = arith.constant 64 : i32
    %dma_wait3A_345 = tpu.memref_slice %arg4[%dma_wait3A_335, %dma_wait3A_336, %dma_wait3A_343, %dma_wait3A_344] : memref<2x1x128x160xf32, #tpu.memory_space<vmem>> -> memref<1x1x128x32xf32, #tpu.memory_space<vmem>>
    %dma_wait3A_346 = tpu.memref_squeeze %dma_wait3A_345 : memref<1x1x128x32xf32, #tpu.memory_space<vmem>> -> memref<128x32xf32, #tpu.memory_space<vmem>>
    %dma_wait3A_347 = arith.constant 928 : i32
    %dma_wait3A_348 = tpu.memref_slice %arg2[%add3A_306, %dma_wait3A_347] : memref<16384x3200xf32, #tpu.memory_space<hbm>> -> memref<128x32xf32, #tpu.memory_space<hbm>>
    tpu.wait_dma2 semaphore(%arg6 : memref<!tpu.dma_semaphore, #tpu.memory_space<semaphore_mem>>) src(%dma_wait3A_348 : memref<128x32xf32, #tpu.memory_space<hbm>>) dst(%dma_wait3A_346 : memref<128x32xf32, #tpu.memory_space<vmem>>)
    %dma_wait3A_349 = arith.constant 1 : i32
    %dma_wait3A_350 = arith.constant 0 : i32
    %dma_wait3A_351 = arith.constant 0 : i32
    %dma_wait3A_352 = arith.constant 96 : i32
    %dma_wait3A_353 = tpu.memref_slice %arg4[%dma_wait3A_349, %dma_wait3A_350, %dma_wait3A_351, %dma_wait3A_352] : memref<2x1x128x160xf32, #tpu.memory_space<vmem>> -> memref<1x1x128x32xf32, #tpu.memory_space<vmem>>
    %dma_wait3A_354 = tpu.memref_squeeze %dma_wait3A_353 : memref<1x1x128x32xf32, #tpu.memory_space<vmem>> -> memref<128x32xf32, #tpu.memory_space<vmem>>
    %dma_wait3A_355 = arith.constant 1248 : i32
    %dma_wait3A_356 = tpu.memref_slice %arg2[%add3A_306, %dma_wait3A_355] : memref<16384x3200xf32, #tpu.memory_space<hbm>> -> memref<128x32xf32, #tpu.memory_space<hbm>>
    %dma_wait3A_357 = arith.constant 0 : i32
    %dma_wait3A_358 = arith.constant 96 : i32
    %dma_wait3A_359 = tpu.memref_slice %arg4[%dma_wait3A_349, %dma_wait3A_350, %dma_wait3A_357, %dma_wait3A_358] : memref<2x1x128x160xf32, #tpu.memory_space<vmem>> -> memref<1x1x128x32xf32, #tpu.memory_space<vmem>>
    %dma_wait3A_360 = tpu.memref_squeeze %dma_wait3A_359 : memref<1x1x128x32xf32, #tpu.memory_space<vmem>> -> memref<128x32xf32, #tpu.memory_space<vmem>>
    %dma_wait3A_361 = arith.constant 1248 : i32
    %dma_wait3A_362 = tpu.memref_slice %arg2[%add3A_306, %dma_wait3A_361] : memref<16384x3200xf32, #tpu.memory_space<hbm>> -> memref<128x32xf32, #tpu.memory_space<hbm>>
    tpu.wait_dma2 semaphore(%arg6 : memref<!tpu.dma_semaphore, #tpu.memory_space<semaphore_mem>>) src(%dma_wait3A_362 : memref<128x32xf32, #tpu.memory_space<hbm>>) dst(%dma_wait3A_360 : memref<128x32xf32, #tpu.memory_space<vmem>>)
    %dma_wait3A_363 = arith.constant 1 : i32
    %dma_wait3A_364 = arith.constant 0 : i32
    %dma_wait3A_365 = arith.constant 0 : i32
    %dma_wait3A_366 = arith.constant 128 : i32
    %dma_wait3A_367 = tpu.memref_slice %arg4[%dma_wait3A_363, %dma_wait3A_364, %dma_wait3A_365, %dma_wait3A_366] : memref<2x1x128x160xf32, #tpu.memory_space<vmem>> -> memref<1x1x128x32xf32, #tpu.memory_space<vmem>>
    %dma_wait3A_368 = tpu.memref_squeeze %dma_wait3A_367 : memref<1x1x128x32xf32, #tpu.memory_space<vmem>> -> memref<128x32xf32, #tpu.memory_space<vmem>>
    %dma_wait3A_369 = arith.constant 1568 : i32
    %dma_wait3A_370 = tpu.memref_slice %arg2[%add3A_306, %dma_wait3A_369] : memref<16384x3200xf32, #tpu.memory_space<hbm>> -> memref<128x32xf32, #tpu.memory_space<hbm>>
    %dma_wait3A_371 = arith.constant 0 : i32
    %dma_wait3A_372 = arith.constant 128 : i32
    %dma_wait3A_373 = tpu.memref_slice %arg4[%dma_wait3A_363, %dma_wait3A_364, %dma_wait3A_371, %dma_wait3A_372] : memref<2x1x128x160xf32, #tpu.memory_space<vmem>> -> memref<1x1x128x32xf32, #tpu.memory_space<vmem>>
    %dma_wait3A_374 = tpu.memref_squeeze %dma_wait3A_373 : memref<1x1x128x32xf32, #tpu.memory_space<vmem>> -> memref<128x32xf32, #tpu.memory_space<vmem>>
    %dma_wait3A_375 = arith.constant 1568 : i32
    %dma_wait3A_376 = tpu.memref_slice %arg2[%add3A_306, %dma_wait3A_375] : memref<16384x3200xf32, #tpu.memory_space<hbm>> -> memref<128x32xf32, #tpu.memory_space<hbm>>
    tpu.wait_dma2 semaphore(%arg6 : memref<!tpu.dma_semaphore, #tpu.memory_space<semaphore_mem>>) src(%dma_wait3A_376 : memref<128x32xf32, #tpu.memory_space<hbm>>) dst(%dma_wait3A_374 : memref<128x32xf32, #tpu.memory_space<vmem>>)
    %add3A_377 = arith.constant 128 : i32
    %add3A_378 = arith.addi %mul3A_2, %add3A_377 : i32
    %dma_start3A_379 = arith.constant 1 : i32
    %dma_start3A_380 = arith.constant 0 : i32
    %dma_start3A_381 = arith.constant 0 : i32
    %dma_start3A_382 = arith.constant 0 : i32
    %dma_start3A_383 = tpu.memref_slice %arg4[%dma_start3A_379, %dma_start3A_380, %dma_start3A_381, %dma_start3A_382] : memref<2x1x128x160xf32, #tpu.memory_space<vmem>> -> memref<1x1x128x160xf32, #tpu.memory_space<vmem>>
    %dma_start3A_384 = tpu.memref_squeeze %dma_start3A_383 : memref<1x1x128x160xf32, #tpu.memory_space<vmem>> -> memref<128x160xf32, #tpu.memory_space<vmem>>
    %dma_start3A_385 = arith.constant 0 : i32
    %dma_start3A_386 = tpu.memref_slice %arg3[%add3A_378, %dma_start3A_385] : memref<16384x160xf32, #tpu.memory_space<hbm>> -> memref<128x160xf32, #tpu.memory_space<hbm>>
    %dma_start3A_387 = arith.constant 0 : i32
    %dma_start3A_388 = tpu.memref_slice %arg3[%add3A_378, %dma_start3A_387] : memref<16384x160xf32, #tpu.memory_space<hbm>> -> memref<128x160xf32, #tpu.memory_space<hbm>>
    %dma_start3A_389 = arith.constant 0 : i32
    %dma_start3A_390 = arith.constant 0 : i32
    %dma_start3A_391 = tpu.memref_slice %arg4[%dma_start3A_379, %dma_start3A_380, %dma_start3A_389, %dma_start3A_390] : memref<2x1x128x160xf32, #tpu.memory_space<vmem>> -> memref<1x1x128x160xf32, #tpu.memory_space<vmem>>
    %dma_start3A_392 = tpu.memref_squeeze %dma_start3A_391 : memref<1x1x128x160xf32, #tpu.memory_space<vmem>> -> memref<128x160xf32, #tpu.memory_space<vmem>>
    tpu.enqueue_dma source(%dma_start3A_392 : memref<128x160xf32, #tpu.memory_space<vmem>>) target(%dma_start3A_388 : memref<128x160xf32, #tpu.memory_space<hbm>>) target_semaphore(%arg8 : memref<!tpu.dma_semaphore, #tpu.memory_space<semaphore_mem>>)
    %add3A_393 = arith.constant 384 : i32
    %add3A_394 = arith.addi %mul3A_2, %add3A_393 : i32
    %dma_start3A_395 = arith.constant 1 : i32
    %dma_start3A_396 = arith.constant 0 : i32
    %dma_start3A_397 = arith.constant 0 : i32
    %dma_start3A_398 = arith.constant 0 : i32
    %dma_start3A_399 = tpu.memref_slice %arg4[%dma_start3A_395, %dma_start3A_396, %dma_start3A_397, %dma_start3A_398] : memref<2x1x128x160xf32, #tpu.memory_space<vmem>> -> memref<1x1x128x32xf32, #tpu.memory_space<vmem>>
    %dma_start3A_400 = tpu.memref_squeeze %dma_start3A_399 : memref<1x1x128x32xf32, #tpu.memory_space<vmem>> -> memref<128x32xf32, #tpu.memory_space<vmem>>
    %dma_start3A_401 = arith.constant 288 : i32
    %dma_start3A_402 = tpu.memref_slice %arg2[%add3A_394, %dma_start3A_401] : memref<16384x3200xf32, #tpu.memory_space<hbm>> -> memref<128x32xf32, #tpu.memory_space<hbm>>
    %dma_start3A_403 = arith.constant 0 : i32
    %dma_start3A_404 = arith.constant 0 : i32
    %dma_start3A_405 = tpu.memref_slice %arg4[%dma_start3A_395, %dma_start3A_396, %dma_start3A_403, %dma_start3A_404] : memref<2x1x128x160xf32, #tpu.memory_space<vmem>> -> memref<1x1x128x32xf32, #tpu.memory_space<vmem>>
    %dma_start3A_406 = tpu.memref_squeeze %dma_start3A_405 : memref<1x1x128x32xf32, #tpu.memory_space<vmem>> -> memref<128x32xf32, #tpu.memory_space<vmem>>
    %dma_start3A_407 = arith.constant 288 : i32
    %dma_start3A_408 = tpu.memref_slice %arg2[%add3A_394, %dma_start3A_407] : memref<16384x3200xf32, #tpu.memory_space<hbm>> -> memref<128x32xf32, #tpu.memory_space<hbm>>
    tpu.enqueue_dma source(%dma_start3A_408 : memref<128x32xf32, #tpu.memory_space<hbm>>) target(%dma_start3A_406 : memref<128x32xf32, #tpu.memory_space<vmem>>) target_semaphore(%arg6 : memref<!tpu.dma_semaphore, #tpu.memory_space<semaphore_mem>>)
    %dma_start3A_409 = arith.constant 1 : i32
    %dma_start3A_410 = arith.constant 0 : i32
    %dma_start3A_411 = arith.constant 0 : i32
    %dma_start3A_412 = arith.constant 32 : i32
    %dma_start3A_413 = tpu.memref_slice %arg4[%dma_start3A_409, %dma_start3A_410, %dma_start3A_411, %dma_start3A_412] : memref<2x1x128x160xf32, #tpu.memory_space<vmem>> -> memref<1x1x128x32xf32, #tpu.memory_space<vmem>>
    %dma_start3A_414 = tpu.memref_squeeze %dma_start3A_413 : memref<1x1x128x32xf32, #tpu.memory_space<vmem>> -> memref<128x32xf32, #tpu.memory_space<vmem>>
    %dma_start3A_415 = arith.constant 608 : i32
    %dma_start3A_416 = tpu.memref_slice %arg2[%add3A_394, %dma_start3A_415] : memref<16384x3200xf32, #tpu.memory_space<hbm>> -> memref<128x32xf32, #tpu.memory_space<hbm>>
    %dma_start3A_417 = arith.constant 0 : i32
    %dma_start3A_418 = arith.constant 32 : i32
    %dma_start3A_419 = tpu.memref_slice %arg4[%dma_start3A_409, %dma_start3A_410, %dma_start3A_417, %dma_start3A_418] : memref<2x1x128x160xf32, #tpu.memory_space<vmem>> -> memref<1x1x128x32xf32, #tpu.memory_space<vmem>>
    %dma_start3A_420 = tpu.memref_squeeze %dma_start3A_419 : memref<1x1x128x32xf32, #tpu.memory_space<vmem>> -> memref<128x32xf32, #tpu.memory_space<vmem>>
    %dma_start3A_421 = arith.constant 608 : i32
    %dma_start3A_422 = tpu.memref_slice %arg2[%add3A_394, %dma_start3A_421] : memref<16384x3200xf32, #tpu.memory_space<hbm>> -> memref<128x32xf32, #tpu.memory_space<hbm>>
    tpu.enqueue_dma source(%dma_start3A_422 : memref<128x32xf32, #tpu.memory_space<hbm>>) target(%dma_start3A_420 : memref<128x32xf32, #tpu.memory_space<vmem>>) target_semaphore(%arg6 : memref<!tpu.dma_semaphore, #tpu.memory_space<semaphore_mem>>)
    %dma_start3A_423 = arith.constant 1 : i32
    %dma_start3A_424 = arith.constant 0 : i32
    %dma_start3A_425 = arith.constant 0 : i32
    %dma_start3A_426 = arith.constant 64 : i32
    %dma_start3A_427 = tpu.memref_slice %arg4[%dma_start3A_423, %dma_start3A_424, %dma_start3A_425, %dma_start3A_426] : memref<2x1x128x160xf32, #tpu.memory_space<vmem>> -> memref<1x1x128x32xf32, #tpu.memory_space<vmem>>
    %dma_start3A_428 = tpu.memref_squeeze %dma_start3A_427 : memref<1x1x128x32xf32, #tpu.memory_space<vmem>> -> memref<128x32xf32, #tpu.memory_space<vmem>>
    %dma_start3A_429 = arith.constant 928 : i32
    %dma_start3A_430 = tpu.memref_slice %arg2[%add3A_394, %dma_start3A_429] : memref<16384x3200xf32, #tpu.memory_space<hbm>> -> memref<128x32xf32, #tpu.memory_space<hbm>>
    %dma_start3A_431 = arith.constant 0 : i32
    %dma_start3A_432 = arith.constant 64 : i32
    %dma_start3A_433 = tpu.memref_slice %arg4[%dma_start3A_423, %dma_start3A_424, %dma_start3A_431, %dma_start3A_432] : memref<2x1x128x160xf32, #tpu.memory_space<vmem>> -> memref<1x1x128x32xf32, #tpu.memory_space<vmem>>
    %dma_start3A_434 = tpu.memref_squeeze %dma_start3A_433 : memref<1x1x128x32xf32, #tpu.memory_space<vmem>> -> memref<128x32xf32, #tpu.memory_space<vmem>>
    %dma_start3A_435 = arith.constant 928 : i32
    %dma_start3A_436 = tpu.memref_slice %arg2[%add3A_394, %dma_start3A_435] : memref<16384x3200xf32, #tpu.memory_space<hbm>> -> memref<128x32xf32, #tpu.memory_space<hbm>>
    tpu.enqueue_dma source(%dma_start3A_436 : memref<128x32xf32, #tpu.memory_space<hbm>>) target(%dma_start3A_434 : memref<128x32xf32, #tpu.memory_space<vmem>>) target_semaphore(%arg6 : memref<!tpu.dma_semaphore, #tpu.memory_space<semaphore_mem>>)
    %dma_start3A_437 = arith.constant 1 : i32
    %dma_start3A_438 = arith.constant 0 : i32
    %dma_start3A_439 = arith.constant 0 : i32
    %dma_start3A_440 = arith.constant 96 : i32
    %dma_start3A_441 = tpu.memref_slice %arg4[%dma_start3A_437, %dma_start3A_438, %dma_start3A_439, %dma_start3A_440] : memref<2x1x128x160xf32, #tpu.memory_space<vmem>> -> memref<1x1x128x32xf32, #tpu.memory_space<vmem>>
    %dma_start3A_442 = tpu.memref_squeeze %dma_start3A_441 : memref<1x1x128x32xf32, #tpu.memory_space<vmem>> -> memref<128x32xf32, #tpu.memory_space<vmem>>
    %dma_start3A_443 = arith.constant 1248 : i32
    %dma_start3A_444 = tpu.memref_slice %arg2[%add3A_394, %dma_start3A_443] : memref<16384x3200xf32, #tpu.memory_space<hbm>> -> memref<128x32xf32, #tpu.memory_space<hbm>>
    %dma_start3A_445 = arith.constant 0 : i32
    %dma_start3A_446 = arith.constant 96 : i32
    %dma_start3A_447 = tpu.memref_slice %arg4[%dma_start3A_437, %dma_start3A_438, %dma_start3A_445, %dma_start3A_446] : memref<2x1x128x160xf32, #tpu.memory_space<vmem>> -> memref<1x1x128x32xf32, #tpu.memory_space<vmem>>
    %dma_start3A_448 = tpu.memref_squeeze %dma_start3A_447 : memref<1x1x128x32xf32, #tpu.memory_space<vmem>> -> memref<128x32xf32, #tpu.memory_space<vmem>>
    %dma_start3A_449 = arith.constant 1248 : i32
    %dma_start3A_450 = tpu.memref_slice %arg2[%add3A_394, %dma_start3A_449] : memref<16384x3200xf32, #tpu.memory_space<hbm>> -> memref<128x32xf32, #tpu.memory_space<hbm>>
    tpu.enqueue_dma source(%dma_start3A_450 : memref<128x32xf32, #tpu.memory_space<hbm>>) target(%dma_start3A_448 : memref<128x32xf32, #tpu.memory_space<vmem>>) target_semaphore(%arg6 : memref<!tpu.dma_semaphore, #tpu.memory_space<semaphore_mem>>)
    %dma_start3A_451 = arith.constant 1 : i32
    %dma_start3A_452 = arith.constant 0 : i32
    %dma_start3A_453 = arith.constant 0 : i32
    %dma_start3A_454 = arith.constant 128 : i32
    %dma_start3A_455 = tpu.memref_slice %arg4[%dma_start3A_451, %dma_start3A_452, %dma_start3A_453, %dma_start3A_454] : memref<2x1x128x160xf32, #tpu.memory_space<vmem>> -> memref<1x1x128x32xf32, #tpu.memory_space<vmem>>
    %dma_start3A_456 = tpu.memref_squeeze %dma_start3A_455 : memref<1x1x128x32xf32, #tpu.memory_space<vmem>> -> memref<128x32xf32, #tpu.memory_space<vmem>>
    %dma_start3A_457 = arith.constant 1568 : i32
    %dma_start3A_458 = tpu.memref_slice %arg2[%add3A_394, %dma_start3A_457] : memref<16384x3200xf32, #tpu.memory_space<hbm>> -> memref<128x32xf32, #tpu.memory_space<hbm>>
    %dma_start3A_459 = arith.constant 0 : i32
    %dma_start3A_460 = arith.constant 128 : i32
    %dma_start3A_461 = tpu.memref_slice %arg4[%dma_start3A_451, %dma_start3A_452, %dma_start3A_459, %dma_start3A_460] : memref<2x1x128x160xf32, #tpu.memory_space<vmem>> -> memref<1x1x128x32xf32, #tpu.memory_space<vmem>>
    %dma_start3A_462 = tpu.memref_squeeze %dma_start3A_461 : memref<1x1x128x32xf32, #tpu.memory_space<vmem>> -> memref<128x32xf32, #tpu.memory_space<vmem>>
    %dma_start3A_463 = arith.constant 1568 : i32
    %dma_start3A_464 = tpu.memref_slice %arg2[%add3A_394, %dma_start3A_463] : memref<16384x3200xf32, #tpu.memory_space<hbm>> -> memref<128x32xf32, #tpu.memory_space<hbm>>
    tpu.enqueue_dma source(%dma_start3A_464 : memref<128x32xf32, #tpu.memory_space<hbm>>) target(%dma_start3A_462 : memref<128x32xf32, #tpu.memory_space<vmem>>) target_semaphore(%arg6 : memref<!tpu.dma_semaphore, #tpu.memory_space<semaphore_mem>>)
    %add3A_465 = arith.constant 256 : i32
    %add3A_466 = arith.addi %mul3A_2, %add3A_465 : i32
    %dma_wait3A_467 = arith.constant 0 : i32
    %dma_wait3A_468 = arith.constant 0 : i32
    %dma_wait3A_469 = arith.constant 0 : i32
    %dma_wait3A_470 = arith.constant 0 : i32
    %dma_wait3A_471 = tpu.memref_slice %arg4[%dma_wait3A_467, %dma_wait3A_468, %dma_wait3A_469, %dma_wait3A_470] : memref<2x1x128x160xf32, #tpu.memory_space<vmem>> -> memref<1x1x128x32xf32, #tpu.memory_space<vmem>>
    %dma_wait3A_472 = tpu.memref_squeeze %dma_wait3A_471 : memref<1x1x128x32xf32, #tpu.memory_space<vmem>> -> memref<128x32xf32, #tpu.memory_space<vmem>>
    %dma_wait3A_473 = arith.constant 288 : i32
    %dma_wait3A_474 = tpu.memref_slice %arg2[%add3A_466, %dma_wait3A_473] : memref<16384x3200xf32, #tpu.memory_space<hbm>> -> memref<128x32xf32, #tpu.memory_space<hbm>>
    %dma_wait3A_475 = arith.constant 0 : i32
    %dma_wait3A_476 = arith.constant 0 : i32
    %dma_wait3A_477 = tpu.memref_slice %arg4[%dma_wait3A_467, %dma_wait3A_468, %dma_wait3A_475, %dma_wait3A_476] : memref<2x1x128x160xf32, #tpu.memory_space<vmem>> -> memref<1x1x128x32xf32, #tpu.memory_space<vmem>>
    %dma_wait3A_478 = tpu.memref_squeeze %dma_wait3A_477 : memref<1x1x128x32xf32, #tpu.memory_space<vmem>> -> memref<128x32xf32, #tpu.memory_space<vmem>>
    %dma_wait3A_479 = arith.constant 288 : i32
    %dma_wait3A_480 = tpu.memref_slice %arg2[%add3A_466, %dma_wait3A_479] : memref<16384x3200xf32, #tpu.memory_space<hbm>> -> memref<128x32xf32, #tpu.memory_space<hbm>>
    tpu.wait_dma2 semaphore(%arg5 : memref<!tpu.dma_semaphore, #tpu.memory_space<semaphore_mem>>) src(%dma_wait3A_480 : memref<128x32xf32, #tpu.memory_space<hbm>>) dst(%dma_wait3A_478 : memref<128x32xf32, #tpu.memory_space<vmem>>)
    %dma_wait3A_481 = arith.constant 0 : i32
    %dma_wait3A_482 = arith.constant 0 : i32
    %dma_wait3A_483 = arith.constant 0 : i32
    %dma_wait3A_484 = arith.constant 32 : i32
    %dma_wait3A_485 = tpu.memref_slice %arg4[%dma_wait3A_481, %dma_wait3A_482, %dma_wait3A_483, %dma_wait3A_484] : memref<2x1x128x160xf32, #tpu.memory_space<vmem>> -> memref<1x1x128x32xf32, #tpu.memory_space<vmem>>
    %dma_wait3A_486 = tpu.memref_squeeze %dma_wait3A_485 : memref<1x1x128x32xf32, #tpu.memory_space<vmem>> -> memref<128x32xf32, #tpu.memory_space<vmem>>
    %dma_wait3A_487 = arith.constant 608 : i32
    %dma_wait3A_488 = tpu.memref_slice %arg2[%add3A_466, %dma_wait3A_487] : memref<16384x3200xf32, #tpu.memory_space<hbm>> -> memref<128x32xf32, #tpu.memory_space<hbm>>
    %dma_wait3A_489 = arith.constant 0 : i32
    %dma_wait3A_490 = arith.constant 32 : i32
    %dma_wait3A_491 = tpu.memref_slice %arg4[%dma_wait3A_481, %dma_wait3A_482, %dma_wait3A_489, %dma_wait3A_490] : memref<2x1x128x160xf32, #tpu.memory_space<vmem>> -> memref<1x1x128x32xf32, #tpu.memory_space<vmem>>
    %dma_wait3A_492 = tpu.memref_squeeze %dma_wait3A_491 : memref<1x1x128x32xf32, #tpu.memory_space<vmem>> -> memref<128x32xf32, #tpu.memory_space<vmem>>
    %dma_wait3A_493 = arith.constant 608 : i32
    %dma_wait3A_494 = tpu.memref_slice %arg2[%add3A_466, %dma_wait3A_493] : memref<16384x3200xf32, #tpu.memory_space<hbm>> -> memref<128x32xf32, #tpu.memory_space<hbm>>
    tpu.wait_dma2 semaphore(%arg5 : memref<!tpu.dma_semaphore, #tpu.memory_space<semaphore_mem>>) src(%dma_wait3A_494 : memref<128x32xf32, #tpu.memory_space<hbm>>) dst(%dma_wait3A_492 : memref<128x32xf32, #tpu.memory_space<vmem>>)
    %dma_wait3A_495 = arith.constant 0 : i32
    %dma_wait3A_496 = arith.constant 0 : i32
    %dma_wait3A_497 = arith.constant 0 : i32
    %dma_wait3A_498 = arith.constant 64 : i32
    %dma_wait3A_499 = tpu.memref_slice %arg4[%dma_wait3A_495, %dma_wait3A_496, %dma_wait3A_497, %dma_wait3A_498] : memref<2x1x128x160xf32, #tpu.memory_space<vmem>> -> memref<1x1x128x32xf32, #tpu.memory_space<vmem>>
    %dma_wait3A_500 = tpu.memref_squeeze %dma_wait3A_499 : memref<1x1x128x32xf32, #tpu.memory_space<vmem>> -> memref<128x32xf32, #tpu.memory_space<vmem>>
    %dma_wait3A_501 = arith.constant 928 : i32
    %dma_wait3A_502 = tpu.memref_slice %arg2[%add3A_466, %dma_wait3A_501] : memref<16384x3200xf32, #tpu.memory_space<hbm>> -> memref<128x32xf32, #tpu.memory_space<hbm>>
    %dma_wait3A_503 = arith.constant 0 : i32
    %dma_wait3A_504 = arith.constant 64 : i32
    %dma_wait3A_505 = tpu.memref_slice %arg4[%dma_wait3A_495, %dma_wait3A_496, %dma_wait3A_503, %dma_wait3A_504] : memref<2x1x128x160xf32, #tpu.memory_space<vmem>> -> memref<1x1x128x32xf32, #tpu.memory_space<vmem>>
    %dma_wait3A_506 = tpu.memref_squeeze %dma_wait3A_505 : memref<1x1x128x32xf32, #tpu.memory_space<vmem>> -> memref<128x32xf32, #tpu.memory_space<vmem>>
    %dma_wait3A_507 = arith.constant 928 : i32
    %dma_wait3A_508 = tpu.memref_slice %arg2[%add3A_466, %dma_wait3A_507] : memref<16384x3200xf32, #tpu.memory_space<hbm>> -> memref<128x32xf32, #tpu.memory_space<hbm>>
    tpu.wait_dma2 semaphore(%arg5 : memref<!tpu.dma_semaphore, #tpu.memory_space<semaphore_mem>>) src(%dma_wait3A_508 : memref<128x32xf32, #tpu.memory_space<hbm>>) dst(%dma_wait3A_506 : memref<128x32xf32, #tpu.memory_space<vmem>>)
    %dma_wait3A_509 = arith.constant 0 : i32
    %dma_wait3A_510 = arith.constant 0 : i32
    %dma_wait3A_511 = arith.constant 0 : i32
    %dma_wait3A_512 = arith.constant 96 : i32
    %dma_wait3A_513 = tpu.memref_slice %arg4[%dma_wait3A_509, %dma_wait3A_510, %dma_wait3A_511, %dma_wait3A_512] : memref<2x1x128x160xf32, #tpu.memory_space<vmem>> -> memref<1x1x128x32xf32, #tpu.memory_space<vmem>>
    %dma_wait3A_514 = tpu.memref_squeeze %dma_wait3A_513 : memref<1x1x128x32xf32, #tpu.memory_space<vmem>> -> memref<128x32xf32, #tpu.memory_space<vmem>>
    %dma_wait3A_515 = arith.constant 1248 : i32
    %dma_wait3A_516 = tpu.memref_slice %arg2[%add3A_466, %dma_wait3A_515] : memref<16384x3200xf32, #tpu.memory_space<hbm>> -> memref<128x32xf32, #tpu.memory_space<hbm>>
    %dma_wait3A_517 = arith.constant 0 : i32
    %dma_wait3A_518 = arith.constant 96 : i32
    %dma_wait3A_519 = tpu.memref_slice %arg4[%dma_wait3A_509, %dma_wait3A_510, %dma_wait3A_517, %dma_wait3A_518] : memref<2x1x128x160xf32, #tpu.memory_space<vmem>> -> memref<1x1x128x32xf32, #tpu.memory_space<vmem>>
    %dma_wait3A_520 = tpu.memref_squeeze %dma_wait3A_519 : memref<1x1x128x32xf32, #tpu.memory_space<vmem>> -> memref<128x32xf32, #tpu.memory_space<vmem>>
    %dma_wait3A_521 = arith.constant 1248 : i32
    %dma_wait3A_522 = tpu.memref_slice %arg2[%add3A_466, %dma_wait3A_521] : memref<16384x3200xf32, #tpu.memory_space<hbm>> -> memref<128x32xf32, #tpu.memory_space<hbm>>
    tpu.wait_dma2 semaphore(%arg5 : memref<!tpu.dma_semaphore, #tpu.memory_space<semaphore_mem>>) src(%dma_wait3A_522 : memref<128x32xf32, #tpu.memory_space<hbm>>) dst(%dma_wait3A_520 : memref<128x32xf32, #tpu.memory_space<vmem>>)
    %dma_wait3A_523 = arith.constant 0 : i32
    %dma_wait3A_524 = arith.constant 0 : i32
    %dma_wait3A_525 = arith.constant 0 : i32
    %dma_wait3A_526 = arith.constant 128 : i32
    %dma_wait3A_527 = tpu.memref_slice %arg4[%dma_wait3A_523, %dma_wait3A_524, %dma_wait3A_525, %dma_wait3A_526] : memref<2x1x128x160xf32, #tpu.memory_space<vmem>> -> memref<1x1x128x32xf32, #tpu.memory_space<vmem>>
    %dma_wait3A_528 = tpu.memref_squeeze %dma_wait3A_527 : memref<1x1x128x32xf32, #tpu.memory_space<vmem>> -> memref<128x32xf32, #tpu.memory_space<vmem>>
    %dma_wait3A_529 = arith.constant 1568 : i32
    %dma_wait3A_530 = tpu.memref_slice %arg2[%add3A_466, %dma_wait3A_529] : memref<16384x3200xf32, #tpu.memory_space<hbm>> -> memref<128x32xf32, #tpu.memory_space<hbm>>
    %dma_wait3A_531 = arith.constant 0 : i32
    %dma_wait3A_532 = arith.constant 128 : i32
    %dma_wait3A_533 = tpu.memref_slice %arg4[%dma_wait3A_523, %dma_wait3A_524, %dma_wait3A_531, %dma_wait3A_532] : memref<2x1x128x160xf32, #tpu.memory_space<vmem>> -> memref<1x1x128x32xf32, #tpu.memory_space<vmem>>
    %dma_wait3A_534 = tpu.memref_squeeze %dma_wait3A_533 : memref<1x1x128x32xf32, #tpu.memory_space<vmem>> -> memref<128x32xf32, #tpu.memory_space<vmem>>
    %dma_wait3A_535 = arith.constant 1568 : i32
    %dma_wait3A_536 = tpu.memref_slice %arg2[%add3A_466, %dma_wait3A_535] : memref<16384x3200xf32, #tpu.memory_space<hbm>> -> memref<128x32xf32, #tpu.memory_space<hbm>>
    tpu.wait_dma2 semaphore(%arg5 : memref<!tpu.dma_semaphore, #tpu.memory_space<semaphore_mem>>) src(%dma_wait3A_536 : memref<128x32xf32, #tpu.memory_space<hbm>>) dst(%dma_wait3A_534 : memref<128x32xf32, #tpu.memory_space<vmem>>)
    %add3A_537 = arith.constant 0 : i32
    %add3A_538 = arith.addi %mul3A_2, %add3A_537 : i32
    %dma_wait3A_539 = arith.constant 0 : i32
    %dma_wait3A_540 = arith.constant 0 : i32
    %dma_wait3A_541 = arith.constant 0 : i32
    %dma_wait3A_542 = arith.constant 0 : i32
    %dma_wait3A_543 = tpu.memref_slice %arg4[%dma_wait3A_539, %dma_wait3A_540, %dma_wait3A_541, %dma_wait3A_542] : memref<2x1x128x160xf32, #tpu.memory_space<vmem>> -> memref<1x1x128x160xf32, #tpu.memory_space<vmem>>
    %dma_wait3A_544 = tpu.memref_squeeze %dma_wait3A_543 : memref<1x1x128x160xf32, #tpu.memory_space<vmem>> -> memref<128x160xf32, #tpu.memory_space<vmem>>
    %dma_wait3A_545 = arith.constant 0 : i32
    %dma_wait3A_546 = tpu.memref_slice %arg3[%add3A_538, %dma_wait3A_545] : memref<16384x160xf32, #tpu.memory_space<hbm>> -> memref<128x160xf32, #tpu.memory_space<hbm>>
    %dma_wait3A_547 = arith.constant 0 : i32
    %dma_wait3A_548 = tpu.memref_slice %arg3[%add3A_538, %dma_wait3A_547] : memref<16384x160xf32, #tpu.memory_space<hbm>> -> memref<128x160xf32, #tpu.memory_space<hbm>>
    %dma_wait3A_549 = arith.constant 0 : i32
    %dma_wait3A_550 = arith.constant 0 : i32
    %dma_wait3A_551 = tpu.memref_slice %arg4[%dma_wait3A_539, %dma_wait3A_540, %dma_wait3A_549, %dma_wait3A_550] : memref<2x1x128x160xf32, #tpu.memory_space<vmem>> -> memref<1x1x128x160xf32, #tpu.memory_space<vmem>>
    %dma_wait3A_552 = tpu.memref_squeeze %dma_wait3A_551 : memref<1x1x128x160xf32, #tpu.memory_space<vmem>> -> memref<128x160xf32, #tpu.memory_space<vmem>>
    tpu.wait_dma2 semaphore(%arg7 : memref<!tpu.dma_semaphore, #tpu.memory_space<semaphore_mem>>) src(%dma_wait3A_552 : memref<128x160xf32, #tpu.memory_space<vmem>>) dst(%dma_wait3A_548 : memref<128x160xf32, #tpu.memory_space<hbm>>)
    %add3A_553 = arith.constant 256 : i32
    %add3A_554 = arith.addi %mul3A_2, %add3A_553 : i32
    %dma_start3A_555 = arith.constant 0 : i32
    %dma_start3A_556 = arith.constant 0 : i32
    %dma_start3A_557 = arith.constant 0 : i32
    %dma_start3A_558 = arith.constant 0 : i32
    %dma_start3A_559 = tpu.memref_slice %arg4[%dma_start3A_555, %dma_start3A_556, %dma_start3A_557, %dma_start3A_558] : memref<2x1x128x160xf32, #tpu.memory_space<vmem>> -> memref<1x1x128x160xf32, #tpu.memory_space<vmem>>
    %dma_start3A_560 = tpu.memref_squeeze %dma_start3A_559 : memref<1x1x128x160xf32, #tpu.memory_space<vmem>> -> memref<128x160xf32, #tpu.memory_space<vmem>>
    %dma_start3A_561 = arith.constant 0 : i32
    %dma_start3A_562 = tpu.memref_slice %arg3[%add3A_554, %dma_start3A_561] : memref<16384x160xf32, #tpu.memory_space<hbm>> -> memref<128x160xf32, #tpu.memory_space<hbm>>
    %dma_start3A_563 = arith.constant 0 : i32
    %dma_start3A_564 = tpu.memref_slice %arg3[%add3A_554, %dma_start3A_563] : memref<16384x160xf32, #tpu.memory_space<hbm>> -> memref<128x160xf32, #tpu.memory_space<hbm>>
    %dma_start3A_565 = arith.constant 0 : i32
    %dma_start3A_566 = arith.constant 0 : i32
    %dma_start3A_567 = tpu.memref_slice %arg4[%dma_start3A_555, %dma_start3A_556, %dma_start3A_565, %dma_start3A_566] : memref<2x1x128x160xf32, #tpu.memory_space<vmem>> -> memref<1x1x128x160xf32, #tpu.memory_space<vmem>>
    %dma_start3A_568 = tpu.memref_squeeze %dma_start3A_567 : memref<1x1x128x160xf32, #tpu.memory_space<vmem>> -> memref<128x160xf32, #tpu.memory_space<vmem>>
    tpu.enqueue_dma source(%dma_start3A_568 : memref<128x160xf32, #tpu.memory_space<vmem>>) target(%dma_start3A_564 : memref<128x160xf32, #tpu.memory_space<hbm>>) target_semaphore(%arg7 : memref<!tpu.dma_semaphore, #tpu.memory_space<semaphore_mem>>)
    %add3A_569 = arith.constant 384 : i32
    %add3A_570 = arith.addi %mul3A_2, %add3A_569 : i32
    %dma_wait3A_571 = arith.constant 1 : i32
    %dma_wait3A_572 = arith.constant 0 : i32
    %dma_wait3A_573 = arith.constant 0 : i32
    %dma_wait3A_574 = arith.constant 0 : i32
    %dma_wait3A_575 = tpu.memref_slice %arg4[%dma_wait3A_571, %dma_wait3A_572, %dma_wait3A_573, %dma_wait3A_574] : memref<2x1x128x160xf32, #tpu.memory_space<vmem>> -> memref<1x1x128x32xf32, #tpu.memory_space<vmem>>
    %dma_wait3A_576 = tpu.memref_squeeze %dma_wait3A_575 : memref<1x1x128x32xf32, #tpu.memory_space<vmem>> -> memref<128x32xf32, #tpu.memory_space<vmem>>
    %dma_wait3A_577 = arith.constant 288 : i32
    %dma_wait3A_578 = tpu.memref_slice %arg2[%add3A_570, %dma_wait3A_577] : memref<16384x3200xf32, #tpu.memory_space<hbm>> -> memref<128x32xf32, #tpu.memory_space<hbm>>
    %dma_wait3A_579 = arith.constant 0 : i32
    %dma_wait3A_580 = arith.constant 0 : i32
    %dma_wait3A_581 = tpu.memref_slice %arg4[%dma_wait3A_571, %dma_wait3A_572, %dma_wait3A_579, %dma_wait3A_580] : memref<2x1x128x160xf32, #tpu.memory_space<vmem>> -> memref<1x1x128x32xf32, #tpu.memory_space<vmem>>
    %dma_wait3A_582 = tpu.memref_squeeze %dma_wait3A_581 : memref<1x1x128x32xf32, #tpu.memory_space<vmem>> -> memref<128x32xf32, #tpu.memory_space<vmem>>
    %dma_wait3A_583 = arith.constant 288 : i32
    %dma_wait3A_584 = tpu.memref_slice %arg2[%add3A_570, %dma_wait3A_583] : memref<16384x3200xf32, #tpu.memory_space<hbm>> -> memref<128x32xf32, #tpu.memory_space<hbm>>
    tpu.wait_dma2 semaphore(%arg6 : memref<!tpu.dma_semaphore, #tpu.memory_space<semaphore_mem>>) src(%dma_wait3A_584 : memref<128x32xf32, #tpu.memory_space<hbm>>) dst(%dma_wait3A_582 : memref<128x32xf32, #tpu.memory_space<vmem>>)
    %dma_wait3A_585 = arith.constant 1 : i32
    %dma_wait3A_586 = arith.constant 0 : i32
    %dma_wait3A_587 = arith.constant 0 : i32
    %dma_wait3A_588 = arith.constant 32 : i32
    %dma_wait3A_589 = tpu.memref_slice %arg4[%dma_wait3A_585, %dma_wait3A_586, %dma_wait3A_587, %dma_wait3A_588] : memref<2x1x128x160xf32, #tpu.memory_space<vmem>> -> memref<1x1x128x32xf32, #tpu.memory_space<vmem>>
    %dma_wait3A_590 = tpu.memref_squeeze %dma_wait3A_589 : memref<1x1x128x32xf32, #tpu.memory_space<vmem>> -> memref<128x32xf32, #tpu.memory_space<vmem>>
    %dma_wait3A_591 = arith.constant 608 : i32
    %dma_wait3A_592 = tpu.memref_slice %arg2[%add3A_570, %dma_wait3A_591] : memref<16384x3200xf32, #tpu.memory_space<hbm>> -> memref<128x32xf32, #tpu.memory_space<hbm>>
    %dma_wait3A_593 = arith.constant 0 : i32
    %dma_wait3A_594 = arith.constant 32 : i32
    %dma_wait3A_595 = tpu.memref_slice %arg4[%dma_wait3A_585, %dma_wait3A_586, %dma_wait3A_593, %dma_wait3A_594] : memref<2x1x128x160xf32, #tpu.memory_space<vmem>> -> memref<1x1x128x32xf32, #tpu.memory_space<vmem>>
    %dma_wait3A_596 = tpu.memref_squeeze %dma_wait3A_595 : memref<1x1x128x32xf32, #tpu.memory_space<vmem>> -> memref<128x32xf32, #tpu.memory_space<vmem>>
    %dma_wait3A_597 = arith.constant 608 : i32
    %dma_wait3A_598 = tpu.memref_slice %arg2[%add3A_570, %dma_wait3A_597] : memref<16384x3200xf32, #tpu.memory_space<hbm>> -> memref<128x32xf32, #tpu.memory_space<hbm>>
    tpu.wait_dma2 semaphore(%arg6 : memref<!tpu.dma_semaphore, #tpu.memory_space<semaphore_mem>>) src(%dma_wait3A_598 : memref<128x32xf32, #tpu.memory_space<hbm>>) dst(%dma_wait3A_596 : memref<128x32xf32, #tpu.memory_space<vmem>>)
    %dma_wait3A_599 = arith.constant 1 : i32
    %dma_wait3A_600 = arith.constant 0 : i32
    %dma_wait3A_601 = arith.constant 0 : i32
    %dma_wait3A_602 = arith.constant 64 : i32
    %dma_wait3A_603 = tpu.memref_slice %arg4[%dma_wait3A_599, %dma_wait3A_600, %dma_wait3A_601, %dma_wait3A_602] : memref<2x1x128x160xf32, #tpu.memory_space<vmem>> -> memref<1x1x128x32xf32, #tpu.memory_space<vmem>>
    %dma_wait3A_604 = tpu.memref_squeeze %dma_wait3A_603 : memref<1x1x128x32xf32, #tpu.memory_space<vmem>> -> memref<128x32xf32, #tpu.memory_space<vmem>>
    %dma_wait3A_605 = arith.constant 928 : i32
    %dma_wait3A_606 = tpu.memref_slice %arg2[%add3A_570, %dma_wait3A_605] : memref<16384x3200xf32, #tpu.memory_space<hbm>> -> memref<128x32xf32, #tpu.memory_space<hbm>>
    %dma_wait3A_607 = arith.constant 0 : i32
    %dma_wait3A_608 = arith.constant 64 : i32
    %dma_wait3A_609 = tpu.memref_slice %arg4[%dma_wait3A_599, %dma_wait3A_600, %dma_wait3A_607, %dma_wait3A_608] : memref<2x1x128x160xf32, #tpu.memory_space<vmem>> -> memref<1x1x128x32xf32, #tpu.memory_space<vmem>>
    %dma_wait3A_610 = tpu.memref_squeeze %dma_wait3A_609 : memref<1x1x128x32xf32, #tpu.memory_space<vmem>> -> memref<128x32xf32, #tpu.memory_space<vmem>>
    %dma_wait3A_611 = arith.constant 928 : i32
    %dma_wait3A_612 = tpu.memref_slice %arg2[%add3A_570, %dma_wait3A_611] : memref<16384x3200xf32, #tpu.memory_space<hbm>> -> memref<128x32xf32, #tpu.memory_space<hbm>>
    tpu.wait_dma2 semaphore(%arg6 : memref<!tpu.dma_semaphore, #tpu.memory_space<semaphore_mem>>) src(%dma_wait3A_612 : memref<128x32xf32, #tpu.memory_space<hbm>>) dst(%dma_wait3A_610 : memref<128x32xf32, #tpu.memory_space<vmem>>)
    %dma_wait3A_613 = arith.constant 1 : i32
    %dma_wait3A_614 = arith.constant 0 : i32
    %dma_wait3A_615 = arith.constant 0 : i32
    %dma_wait3A_616 = arith.constant 96 : i32
    %dma_wait3A_617 = tpu.memref_slice %arg4[%dma_wait3A_613, %dma_wait3A_614, %dma_wait3A_615, %dma_wait3A_616] : memref<2x1x128x160xf32, #tpu.memory_space<vmem>> -> memref<1x1x128x32xf32, #tpu.memory_space<vmem>>
    %dma_wait3A_618 = tpu.memref_squeeze %dma_wait3A_617 : memref<1x1x128x32xf32, #tpu.memory_space<vmem>> -> memref<128x32xf32, #tpu.memory_space<vmem>>
    %dma_wait3A_619 = arith.constant 1248 : i32
    %dma_wait3A_620 = tpu.memref_slice %arg2[%add3A_570, %dma_wait3A_619] : memref<16384x3200xf32, #tpu.memory_space<hbm>> -> memref<128x32xf32, #tpu.memory_space<hbm>>
    %dma_wait3A_621 = arith.constant 0 : i32
    %dma_wait3A_622 = arith.constant 96 : i32
    %dma_wait3A_623 = tpu.memref_slice %arg4[%dma_wait3A_613, %dma_wait3A_614, %dma_wait3A_621, %dma_wait3A_622] : memref<2x1x128x160xf32, #tpu.memory_space<vmem>> -> memref<1x1x128x32xf32, #tpu.memory_space<vmem>>
    %dma_wait3A_624 = tpu.memref_squeeze %dma_wait3A_623 : memref<1x1x128x32xf32, #tpu.memory_space<vmem>> -> memref<128x32xf32, #tpu.memory_space<vmem>>
    %dma_wait3A_625 = arith.constant 1248 : i32
    %dma_wait3A_626 = tpu.memref_slice %arg2[%add3A_570, %dma_wait3A_625] : memref<16384x3200xf32, #tpu.memory_space<hbm>> -> memref<128x32xf32, #tpu.memory_space<hbm>>
    tpu.wait_dma2 semaphore(%arg6 : memref<!tpu.dma_semaphore, #tpu.memory_space<semaphore_mem>>) src(%dma_wait3A_626 : memref<128x32xf32, #tpu.memory_space<hbm>>) dst(%dma_wait3A_624 : memref<128x32xf32, #tpu.memory_space<vmem>>)
    %dma_wait3A_627 = arith.constant 1 : i32
    %dma_wait3A_628 = arith.constant 0 : i32
    %dma_wait3A_629 = arith.constant 0 : i32
    %dma_wait3A_630 = arith.constant 128 : i32
    %dma_wait3A_631 = tpu.memref_slice %arg4[%dma_wait3A_627, %dma_wait3A_628, %dma_wait3A_629, %dma_wait3A_630] : memref<2x1x128x160xf32, #tpu.memory_space<vmem>> -> memref<1x1x128x32xf32, #tpu.memory_space<vmem>>
    %dma_wait3A_632 = tpu.memref_squeeze %dma_wait3A_631 : memref<1x1x128x32xf32, #tpu.memory_space<vmem>> -> memref<128x32xf32, #tpu.memory_space<vmem>>
    %dma_wait3A_633 = arith.constant 1568 : i32
    %dma_wait3A_634 = tpu.memref_slice %arg2[%add3A_570, %dma_wait3A_633] : memref<16384x3200xf32, #tpu.memory_space<hbm>> -> memref<128x32xf32, #tpu.memory_space<hbm>>
    %dma_wait3A_635 = arith.constant 0 : i32
    %dma_wait3A_636 = arith.constant 128 : i32
    %dma_wait3A_637 = tpu.memref_slice %arg4[%dma_wait3A_627, %dma_wait3A_628, %dma_wait3A_635, %dma_wait3A_636] : memref<2x1x128x160xf32, #tpu.memory_space<vmem>> -> memref<1x1x128x32xf32, #tpu.memory_space<vmem>>
    %dma_wait3A_638 = tpu.memref_squeeze %dma_wait3A_637 : memref<1x1x128x32xf32, #tpu.memory_space<vmem>> -> memref<128x32xf32, #tpu.memory_space<vmem>>
    %dma_wait3A_639 = arith.constant 1568 : i32
    %dma_wait3A_640 = tpu.memref_slice %arg2[%add3A_570, %dma_wait3A_639] : memref<16384x3200xf32, #tpu.memory_space<hbm>> -> memref<128x32xf32, #tpu.memory_space<hbm>>
    tpu.wait_dma2 semaphore(%arg6 : memref<!tpu.dma_semaphore, #tpu.memory_space<semaphore_mem>>) src(%dma_wait3A_640 : memref<128x32xf32, #tpu.memory_space<hbm>>) dst(%dma_wait3A_638 : memref<128x32xf32, #tpu.memory_space<vmem>>)
    %add3A_641 = arith.constant 128 : i32
    %add3A_642 = arith.addi %mul3A_2, %add3A_641 : i32
    %dma_wait3A_643 = arith.constant 1 : i32
    %dma_wait3A_644 = arith.constant 0 : i32
    %dma_wait3A_645 = arith.constant 0 : i32
    %dma_wait3A_646 = arith.constant 0 : i32
    %dma_wait3A_647 = tpu.memref_slice %arg4[%dma_wait3A_643, %dma_wait3A_644, %dma_wait3A_645, %dma_wait3A_646] : memref<2x1x128x160xf32, #tpu.memory_space<vmem>> -> memref<1x1x128x160xf32, #tpu.memory_space<vmem>>
    %dma_wait3A_648 = tpu.memref_squeeze %dma_wait3A_647 : memref<1x1x128x160xf32, #tpu.memory_space<vmem>> -> memref<128x160xf32, #tpu.memory_space<vmem>>
    %dma_wait3A_649 = arith.constant 0 : i32
    %dma_wait3A_650 = tpu.memref_slice %arg3[%add3A_642, %dma_wait3A_649] : memref<16384x160xf32, #tpu.memory_space<hbm>> -> memref<128x160xf32, #tpu.memory_space<hbm>>
    %dma_wait3A_651 = arith.constant 0 : i32
    %dma_wait3A_652 = tpu.memref_slice %arg3[%add3A_642, %dma_wait3A_651] : memref<16384x160xf32, #tpu.memory_space<hbm>> -> memref<128x160xf32, #tpu.memory_space<hbm>>
    %dma_wait3A_653 = arith.constant 0 : i32
    %dma_wait3A_654 = arith.constant 0 : i32
    %dma_wait3A_655 = tpu.memref_slice %arg4[%dma_wait3A_643, %dma_wait3A_644, %dma_wait3A_653, %dma_wait3A_654] : memref<2x1x128x160xf32, #tpu.memory_space<vmem>> -> memref<1x1x128x160xf32, #tpu.memory_space<vmem>>
    %dma_wait3A_656 = tpu.memref_squeeze %dma_wait3A_655 : memref<1x1x128x160xf32, #tpu.memory_space<vmem>> -> memref<128x160xf32, #tpu.memory_space<vmem>>
    tpu.wait_dma2 semaphore(%arg8 : memref<!tpu.dma_semaphore, #tpu.memory_space<semaphore_mem>>) src(%dma_wait3A_656 : memref<128x160xf32, #tpu.memory_space<vmem>>) dst(%dma_wait3A_652 : memref<128x160xf32, #tpu.memory_space<hbm>>)
    %add3A_657 = arith.constant 384 : i32
    %add3A_658 = arith.addi %mul3A_2, %add3A_657 : i32
    %dma_start3A_659 = arith.constant 1 : i32
    %dma_start3A_660 = arith.constant 0 : i32
    %dma_start3A_661 = arith.constant 0 : i32
    %dma_start3A_662 = arith.constant 0 : i32
    %dma_start3A_663 = tpu.memref_slice %arg4[%dma_start3A_659, %dma_start3A_660, %dma_start3A_661, %dma_start3A_662] : memref<2x1x128x160xf32, #tpu.memory_space<vmem>> -> memref<1x1x128x160xf32, #tpu.memory_space<vmem>>
    %dma_start3A_664 = tpu.memref_squeeze %dma_start3A_663 : memref<1x1x128x160xf32, #tpu.memory_space<vmem>> -> memref<128x160xf32, #tpu.memory_space<vmem>>
    %dma_start3A_665 = arith.constant 0 : i32
    %dma_start3A_666 = tpu.memref_slice %arg3[%add3A_658, %dma_start3A_665] : memref<16384x160xf32, #tpu.memory_space<hbm>> -> memref<128x160xf32, #tpu.memory_space<hbm>>
    %dma_start3A_667 = arith.constant 0 : i32
    %dma_start3A_668 = tpu.memref_slice %arg3[%add3A_658, %dma_start3A_667] : memref<16384x160xf32, #tpu.memory_space<hbm>> -> memref<128x160xf32, #tpu.memory_space<hbm>>
    %dma_start3A_669 = arith.constant 0 : i32
    %dma_start3A_670 = arith.constant 0 : i32
    %dma_start3A_671 = tpu.memref_slice %arg4[%dma_start3A_659, %dma_start3A_660, %dma_start3A_669, %dma_start3A_670] : memref<2x1x128x160xf32, #tpu.memory_space<vmem>> -> memref<1x1x128x160xf32, #tpu.memory_space<vmem>>
    %dma_start3A_672 = tpu.memref_squeeze %dma_start3A_671 : memref<1x1x128x160xf32, #tpu.memory_space<vmem>> -> memref<128x160xf32, #tpu.memory_space<vmem>>
    tpu.enqueue_dma source(%dma_start3A_672 : memref<128x160xf32, #tpu.memory_space<vmem>>) target(%dma_start3A_668 : memref<128x160xf32, #tpu.memory_space<hbm>>) target_semaphore(%arg8 : memref<!tpu.dma_semaphore, #tpu.memory_space<semaphore_mem>>)
    %add3A_673 = arith.constant 256 : i32
    %add3A_674 = arith.addi %mul3A_2, %add3A_673 : i32
    %dma_wait3A_675 = arith.constant 0 : i32
    %dma_wait3A_676 = arith.constant 0 : i32
    %dma_wait3A_677 = arith.constant 0 : i32
    %dma_wait3A_678 = arith.constant 0 : i32
    %dma_wait3A_679 = tpu.memref_slice %arg4[%dma_wait3A_675, %dma_wait3A_676, %dma_wait3A_677, %dma_wait3A_678] : memref<2x1x128x160xf32, #tpu.memory_space<vmem>> -> memref<1x1x128x160xf32, #tpu.memory_space<vmem>>
    %dma_wait3A_680 = tpu.memref_squeeze %dma_wait3A_679 : memref<1x1x128x160xf32, #tpu.memory_space<vmem>> -> memref<128x160xf32, #tpu.memory_space<vmem>>
    %dma_wait3A_681 = arith.constant 0 : i32
    %dma_wait3A_682 = tpu.memref_slice %arg3[%add3A_674, %dma_wait3A_681] : memref<16384x160xf32, #tpu.memory_space<hbm>> -> memref<128x160xf32, #tpu.memory_space<hbm>>
    %dma_wait3A_683 = arith.constant 0 : i32
    %dma_wait3A_684 = tpu.memref_slice %arg3[%add3A_674, %dma_wait3A_683] : memref<16384x160xf32, #tpu.memory_space<hbm>> -> memref<128x160xf32, #tpu.memory_space<hbm>>
    %dma_wait3A_685 = arith.constant 0 : i32
    %dma_wait3A_686 = arith.constant 0 : i32
    %dma_wait3A_687 = tpu.memref_slice %arg4[%dma_wait3A_675, %dma_wait3A_676, %dma_wait3A_685, %dma_wait3A_686] : memref<2x1x128x160xf32, #tpu.memory_space<vmem>> -> memref<1x1x128x160xf32, #tpu.memory_space<vmem>>
    %dma_wait3A_688 = tpu.memref_squeeze %dma_wait3A_687 : memref<1x1x128x160xf32, #tpu.memory_space<vmem>> -> memref<128x160xf32, #tpu.memory_space<vmem>>
    tpu.wait_dma2 semaphore(%arg7 : memref<!tpu.dma_semaphore, #tpu.memory_space<semaphore_mem>>) src(%dma_wait3A_688 : memref<128x160xf32, #tpu.memory_space<vmem>>) dst(%dma_wait3A_684 : memref<128x160xf32, #tpu.memory_space<hbm>>)
    %add3A_689 = arith.constant 384 : i32
    %add3A_690 = arith.addi %mul3A_2, %add3A_689 : i32
    %dma_wait3A_691 = arith.constant 1 : i32
    %dma_wait3A_692 = arith.constant 0 : i32
    %dma_wait3A_693 = arith.constant 0 : i32
    %dma_wait3A_694 = arith.constant 0 : i32
    %dma_wait3A_695 = tpu.memref_slice %arg4[%dma_wait3A_691, %dma_wait3A_692, %dma_wait3A_693, %dma_wait3A_694] : memref<2x1x128x160xf32, #tpu.memory_space<vmem>> -> memref<1x1x128x160xf32, #tpu.memory_space<vmem>>
    %dma_wait3A_696 = tpu.memref_squeeze %dma_wait3A_695 : memref<1x1x128x160xf32, #tpu.memory_space<vmem>> -> memref<128x160xf32, #tpu.memory_space<vmem>>
    %dma_wait3A_697 = arith.constant 0 : i32
    %dma_wait3A_698 = tpu.memref_slice %arg3[%add3A_690, %dma_wait3A_697] : memref<16384x160xf32, #tpu.memory_space<hbm>> -> memref<128x160xf32, #tpu.memory_space<hbm>>
    %dma_wait3A_699 = arith.constant 0 : i32
    %dma_wait3A_700 = tpu.memref_slice %arg3[%add3A_690, %dma_wait3A_699] : memref<16384x160xf32, #tpu.memory_space<hbm>> -> memref<128x160xf32, #tpu.memory_space<hbm>>
    %dma_wait3A_701 = arith.constant 0 : i32
    %dma_wait3A_702 = arith.constant 0 : i32
    %dma_wait3A_703 = tpu.memref_slice %arg4[%dma_wait3A_691, %dma_wait3A_692, %dma_wait3A_701, %dma_wait3A_702] : memref<2x1x128x160xf32, #tpu.memory_space<vmem>> -> memref<1x1x128x160xf32, #tpu.memory_space<vmem>>
    %dma_wait3A_704 = tpu.memref_squeeze %dma_wait3A_703 : memref<1x1x128x160xf32, #tpu.memory_space<vmem>> -> memref<128x160xf32, #tpu.memory_space<vmem>>
    tpu.wait_dma2 semaphore(%arg8 : memref<!tpu.dma_semaphore, #tpu.memory_space<semaphore_mem>>) src(%dma_wait3A_704 : memref<128x160xf32, #tpu.memory_space<vmem>>) dst(%dma_wait3A_700 : memref<128x160xf32, #tpu.memory_space<hbm>>)
    return
  }
}

module attributes {stable_mosaic.version = 14 : i64} {
  func.func @_tc_body(%arg0: i32, %arg1: memref<1024x128xf32, #tpu.memory_space<vmem>>, %arg2: memref<1024x128xf32, #tpu.memory_space<vmem>>, %arg3: memref<1024x128xf32, #tpu.memory_space<vmem>>, %arg4: memref<1024x128xf32, #tpu.memory_space<vmem>>, %arg5: memref<1024x128xf32, #tpu.memory_space<vmem>>, %arg6: memref<1024x128xf32, #tpu.memory_space<vmem>>, %arg7: memref<1024x128xf32, #tpu.memory_space<vmem>>, %arg8: memref<1024x128xf32, #tpu.memory_space<vmem>>, %arg9: memref<1024x128xf32, #tpu.memory_space<vmem>>, %arg10: memref<1024x128xf32, #tpu.memory_space<vmem>>, %arg11: memref<1024x128xf32, #tpu.memory_space<vmem>>, %arg12: memref<1024x128xf32, #tpu.memory_space<vmem>>, %arg13: memref<1024x128xf32, #tpu.memory_space<vmem>>, %arg14: memref<1024x160xf32, #tpu.memory_space<vmem>>, %arg15: memref<1024x160xf32, #tpu.memory_space<vmem>>, %arg16: memref<1024x160xf32, #tpu.memory_space<vmem>>, %arg17: memref<1024x160xf32, #tpu.memory_space<vmem>>, %arg18: memref<1024x160xf32, #tpu.memory_space<vmem>>, %arg19: memref<1024x160xf32, #tpu.memory_space<vmem>>, %arg20: memref<1024x160xf32, #tpu.memory_space<vmem>>, %arg21: memref<1024x160xf32, #tpu.memory_space<vmem>>, %arg22: memref<1024x160xf32, #tpu.memory_space<vmem>>) attributes {dimension_semantics = [#tpu.dimension_semantics<arbitrary>], iteration_bounds = array<i64: 16>, scalar_prefetch = 0 : i64, scratch_operands = 0 : i64, tpu.core_type = #tpu.core_type<tc>, window_params = [{transform_indices = @transform_0, window_bounds = array<i64: 1024, 128>}, {transform_indices = @transform_1, window_bounds = array<i64: 1024, 128>}, {transform_indices = @transform_2, window_bounds = array<i64: 1024, 128>}, {transform_indices = @transform_3, window_bounds = array<i64: 1024, 128>}, {transform_indices = @transform_4, window_bounds = array<i64: 1024, 128>}, {transform_indices = @transform_5, window_bounds = array<i64: 1024, 128>}, {transform_indices = @transform_6, window_bounds = array<i64: 1024, 128>}, {transform_indices = @transform_7, window_bounds = array<i64: 1024, 128>}, {transform_indices = @transform_8, window_bounds = array<i64: 1024, 128>}, {transform_indices = @transform_9, window_bounds = array<i64: 1024, 128>}, {transform_indices = @transform_10, window_bounds = array<i64: 1024, 128>}, {transform_indices = @transform_11, window_bounds = array<i64: 1024, 128>}, {transform_indices = @transform_12, window_bounds = array<i64: 1024, 128>}, {transform_indices = @transform_13, window_bounds = array<i64: 1024, 160>}, {transform_indices = @transform_14, window_bounds = array<i64: 1024, 160>}, {transform_indices = @transform_15, window_bounds = array<i64: 1024, 160>}, {transform_indices = @transform_16, window_bounds = array<i64: 1024, 160>}, {transform_indices = @transform_17, window_bounds = array<i64: 1024, 160>}, {transform_indices = @transform_18, window_bounds = array<i64: 1024, 160>}, {transform_indices = @transform_19, window_bounds = array<i64: 1024, 160>}, {transform_indices = @transform_20, window_bounds = array<i64: 1024, 160>}, {transform_indices = @transform_21, window_bounds = array<i64: 1024, 160>}]} {
    %get3A = arith.constant 0 : index
    %get3A_0 = arith.constant 0 : index
    %get3A_1 = vector.load %arg1[%get3A, %get3A_0] : memref<1024x128xf32, #tpu.memory_space<vmem>>, vector<1024x32xf32>
    %get3A_2 = arith.constant 0 : index
    %get3A_3 = arith.constant 64 : index
    %get3A_4 = vector.load %arg3[%get3A_2, %get3A_3] : memref<1024x128xf32, #tpu.memory_space<vmem>>, vector<1024x32xf32>
    %get3A_5 = arith.constant 0 : index
    %get3A_6 = arith.constant 0 : index
    %get3A_7 = vector.load %arg6[%get3A_5, %get3A_6] : memref<1024x128xf32, #tpu.memory_space<vmem>>, vector<1024x32xf32>
    %get3A_8 = arith.constant 0 : index
    %get3A_9 = arith.constant 64 : index
    %get3A_10 = vector.load %arg8[%get3A_8, %get3A_9] : memref<1024x128xf32, #tpu.memory_space<vmem>>, vector<1024x32xf32>
    %get3A_11 = arith.constant 0 : index
    %get3A_12 = arith.constant 0 : index
    %get3A_13 = vector.load %arg11[%get3A_11, %get3A_12] : memref<1024x128xf32, #tpu.memory_space<vmem>>, vector<1024x32xf32>
    %concatenate3A = tpu.concatenate %get3A_1, %get3A_4, %get3A_7, %get3A_10, %get3A_13 in 1 : vector<1024x32xf32>, vector<1024x32xf32>, vector<1024x32xf32>, vector<1024x32xf32>, vector<1024x32xf32> -> vector<1024x160xf32>
    %swap3A = arith.constant 0 : index
    %swap3A_14 = arith.constant 0 : index
    %swap3A_15 = vector.load %arg14[%swap3A, %swap3A_14] : memref<1024x160xf32, #tpu.memory_space<vmem>>, vector<1024x160xf32>
    tpu.vector_store %arg14[%swap3A, %swap3A_14], %concatenate3A {strides = array<i32>} : memref<1024x160xf32, #tpu.memory_space<vmem>>, vector<1024x160xf32>,
    %get3A_16 = arith.constant 0 : index
    %get3A_17 = arith.constant 32 : index
    %get3A_18 = vector.load %arg1[%get3A_16, %get3A_17] : memref<1024x128xf32, #tpu.memory_space<vmem>>, vector<1024x32xf32>
    %get3A_19 = arith.constant 0 : index
    %get3A_20 = arith.constant 96 : index
    %get3A_21 = vector.load %arg3[%get3A_19, %get3A_20] : memref<1024x128xf32, #tpu.memory_space<vmem>>, vector<1024x32xf32>
    %get3A_22 = arith.constant 0 : index
    %get3A_23 = arith.constant 32 : index
    %get3A_24 = vector.load %arg6[%get3A_22, %get3A_23] : memref<1024x128xf32, #tpu.memory_space<vmem>>, vector<1024x32xf32>
    %get3A_25 = arith.constant 0 : index
    %get3A_26 = arith.constant 96 : index
    %get3A_27 = vector.load %arg8[%get3A_25, %get3A_26] : memref<1024x128xf32, #tpu.memory_space<vmem>>, vector<1024x32xf32>
    %get3A_28 = arith.constant 0 : index
    %get3A_29 = arith.constant 32 : index
    %get3A_30 = vector.load %arg11[%get3A_28, %get3A_29] : memref<1024x128xf32, #tpu.memory_space<vmem>>, vector<1024x32xf32>
    %concatenate3A_31 = tpu.concatenate %get3A_18, %get3A_21, %get3A_24, %get3A_27, %get3A_30 in 1 : vector<1024x32xf32>, vector<1024x32xf32>, vector<1024x32xf32>, vector<1024x32xf32>, vector<1024x32xf32> -> vector<1024x160xf32>
    %swap3A_32 = arith.constant 0 : index
    %swap3A_33 = arith.constant 0 : index
    %swap3A_34 = vector.load %arg15[%swap3A_32, %swap3A_33] : memref<1024x160xf32, #tpu.memory_space<vmem>>, vector<1024x160xf32>
    tpu.vector_store %arg15[%swap3A_32, %swap3A_33], %concatenate3A_31 {strides = array<i32>} : memref<1024x160xf32, #tpu.memory_space<vmem>>, vector<1024x160xf32>,
    %get3A_35 = arith.constant 0 : index
    %get3A_36 = arith.constant 64 : index
    %get3A_37 = vector.load %arg1[%get3A_35, %get3A_36] : memref<1024x128xf32, #tpu.memory_space<vmem>>, vector<1024x32xf32>
    %get3A_38 = arith.constant 0 : index
    %get3A_39 = arith.constant 0 : index
    %get3A_40 = vector.load %arg4[%get3A_38, %get3A_39] : memref<1024x128xf32, #tpu.memory_space<vmem>>, vector<1024x32xf32>
    %get3A_41 = arith.constant 0 : index
    %get3A_42 = arith.constant 64 : index
    %get3A_43 = vector.load %arg6[%get3A_41, %get3A_42] : memref<1024x128xf32, #tpu.memory_space<vmem>>, vector<1024x32xf32>
    %get3A_44 = arith.constant 0 : index
    %get3A_45 = arith.constant 0 : index
    %get3A_46 = vector.load %arg9[%get3A_44, %get3A_45] : memref<1024x128xf32, #tpu.memory_space<vmem>>, vector<1024x32xf32>
    %get3A_47 = arith.constant 0 : index
    %get3A_48 = arith.constant 64 : index
    %get3A_49 = vector.load %arg11[%get3A_47, %get3A_48] : memref<1024x128xf32, #tpu.memory_space<vmem>>, vector<1024x32xf32>
    %concatenate3A_50 = tpu.concatenate %get3A_37, %get3A_40, %get3A_43, %get3A_46, %get3A_49 in 1 : vector<1024x32xf32>, vector<1024x32xf32>, vector<1024x32xf32>, vector<1024x32xf32>, vector<1024x32xf32> -> vector<1024x160xf32>
    %swap3A_51 = arith.constant 0 : index
    %swap3A_52 = arith.constant 0 : index
    %swap3A_53 = vector.load %arg16[%swap3A_51, %swap3A_52] : memref<1024x160xf32, #tpu.memory_space<vmem>>, vector<1024x160xf32>
    tpu.vector_store %arg16[%swap3A_51, %swap3A_52], %concatenate3A_50 {strides = array<i32>} : memref<1024x160xf32, #tpu.memory_space<vmem>>, vector<1024x160xf32>,
    %get3A_54 = arith.constant 0 : index
    %get3A_55 = arith.constant 96 : index
    %get3A_56 = vector.load %arg1[%get3A_54, %get3A_55] : memref<1024x128xf32, #tpu.memory_space<vmem>>, vector<1024x32xf32>
    %get3A_57 = arith.constant 0 : index
    %get3A_58 = arith.constant 32 : index
    %get3A_59 = vector.load %arg4[%get3A_57, %get3A_58] : memref<1024x128xf32, #tpu.memory_space<vmem>>, vector<1024x32xf32>
    %get3A_60 = arith.constant 0 : index
    %get3A_61 = arith.constant 96 : index
    %get3A_62 = vector.load %arg6[%get3A_60, %get3A_61] : memref<1024x128xf32, #tpu.memory_space<vmem>>, vector<1024x32xf32>
    %get3A_63 = arith.constant 0 : index
    %get3A_64 = arith.constant 32 : index
    %get3A_65 = vector.load %arg9[%get3A_63, %get3A_64] : memref<1024x128xf32, #tpu.memory_space<vmem>>, vector<1024x32xf32>
    %get3A_66 = arith.constant 0 : index
    %get3A_67 = arith.constant 96 : index
    %get3A_68 = vector.load %arg11[%get3A_66, %get3A_67] : memref<1024x128xf32, #tpu.memory_space<vmem>>, vector<1024x32xf32>
    %concatenate3A_69 = tpu.concatenate %get3A_56, %get3A_59, %get3A_62, %get3A_65, %get3A_68 in 1 : vector<1024x32xf32>, vector<1024x32xf32>, vector<1024x32xf32>, vector<1024x32xf32>, vector<1024x32xf32> -> vector<1024x160xf32>
    %swap3A_70 = arith.constant 0 : index
    %swap3A_71 = arith.constant 0 : index
    %swap3A_72 = vector.load %arg17[%swap3A_70, %swap3A_71] : memref<1024x160xf32, #tpu.memory_space<vmem>>, vector<1024x160xf32>
    tpu.vector_store %arg17[%swap3A_70, %swap3A_71], %concatenate3A_69 {strides = array<i32>} : memref<1024x160xf32, #tpu.memory_space<vmem>>, vector<1024x160xf32>,
    %get3A_73 = arith.constant 0 : index
    %get3A_74 = arith.constant 0 : index
    %get3A_75 = vector.load %arg2[%get3A_73, %get3A_74] : memref<1024x128xf32, #tpu.memory_space<vmem>>, vector<1024x32xf32>
    %get3A_76 = arith.constant 0 : index
    %get3A_77 = arith.constant 64 : index
    %get3A_78 = vector.load %arg4[%get3A_76, %get3A_77] : memref<1024x128xf32, #tpu.memory_space<vmem>>, vector<1024x32xf32>
    %get3A_79 = arith.constant 0 : index
    %get3A_80 = arith.constant 0 : index
    %get3A_81 = vector.load %arg7[%get3A_79, %get3A_80] : memref<1024x128xf32, #tpu.memory_space<vmem>>, vector<1024x32xf32>
    %get3A_82 = arith.constant 0 : index
    %get3A_83 = arith.constant 64 : index
    %get3A_84 = vector.load %arg9[%get3A_82, %get3A_83] : memref<1024x128xf32, #tpu.memory_space<vmem>>, vector<1024x32xf32>
    %get3A_85 = arith.constant 0 : index
    %get3A_86 = arith.constant 0 : index
    %get3A_87 = vector.load %arg12[%get3A_85, %get3A_86] : memref<1024x128xf32, #tpu.memory_space<vmem>>, vector<1024x32xf32>
    %concatenate3A_88 = tpu.concatenate %get3A_75, %get3A_78, %get3A_81, %get3A_84, %get3A_87 in 1 : vector<1024x32xf32>, vector<1024x32xf32>, vector<1024x32xf32>, vector<1024x32xf32>, vector<1024x32xf32> -> vector<1024x160xf32>
    %swap3A_89 = arith.constant 0 : index
    %swap3A_90 = arith.constant 0 : index
    %swap3A_91 = vector.load %arg18[%swap3A_89, %swap3A_90] : memref<1024x160xf32, #tpu.memory_space<vmem>>, vector<1024x160xf32>
    tpu.vector_store %arg18[%swap3A_89, %swap3A_90], %concatenate3A_88 {strides = array<i32>} : memref<1024x160xf32, #tpu.memory_space<vmem>>, vector<1024x160xf32>,
    %get3A_92 = arith.constant 0 : index
    %get3A_93 = arith.constant 32 : index
    %get3A_94 = vector.load %arg2[%get3A_92, %get3A_93] : memref<1024x128xf32, #tpu.memory_space<vmem>>, vector<1024x32xf32>
    %get3A_95 = arith.constant 0 : index
    %get3A_96 = arith.constant 96 : index
    %get3A_97 = vector.load %arg4[%get3A_95, %get3A_96] : memref<1024x128xf32, #tpu.memory_space<vmem>>, vector<1024x32xf32>
    %get3A_98 = arith.constant 0 : index
    %get3A_99 = arith.constant 32 : index
    %get3A_100 = vector.load %arg7[%get3A_98, %get3A_99] : memref<1024x128xf32, #tpu.memory_space<vmem>>, vector<1024x32xf32>
    %get3A_101 = arith.constant 0 : index
    %get3A_102 = arith.constant 96 : index
    %get3A_103 = vector.load %arg9[%get3A_101, %get3A_102] : memref<1024x128xf32, #tpu.memory_space<vmem>>, vector<1024x32xf32>
    %get3A_104 = arith.constant 0 : index
    %get3A_105 = arith.constant 32 : index
    %get3A_106 = vector.load %arg12[%get3A_104, %get3A_105] : memref<1024x128xf32, #tpu.memory_space<vmem>>, vector<1024x32xf32>
    %concatenate3A_107 = tpu.concatenate %get3A_94, %get3A_97, %get3A_100, %get3A_103, %get3A_106 in 1 : vector<1024x32xf32>, vector<1024x32xf32>, vector<1024x32xf32>, vector<1024x32xf32>, vector<1024x32xf32> -> vector<1024x160xf32>
    %swap3A_108 = arith.constant 0 : index
    %swap3A_109 = arith.constant 0 : index
    %swap3A_110 = vector.load %arg19[%swap3A_108, %swap3A_109] : memref<1024x160xf32, #tpu.memory_space<vmem>>, vector<1024x160xf32>
    tpu.vector_store %arg19[%swap3A_108, %swap3A_109], %concatenate3A_107 {strides = array<i32>} : memref<1024x160xf32, #tpu.memory_space<vmem>>, vector<1024x160xf32>,
    %get3A_111 = arith.constant 0 : index
    %get3A_112 = arith.constant 64 : index
    %get3A_113 = vector.load %arg2[%get3A_111, %get3A_112] : memref<1024x128xf32, #tpu.memory_space<vmem>>, vector<1024x32xf32>
    %get3A_114 = arith.constant 0 : index
    %get3A_115 = arith.constant 0 : index
    %get3A_116 = vector.load %arg5[%get3A_114, %get3A_115] : memref<1024x128xf32, #tpu.memory_space<vmem>>, vector<1024x32xf32>
    %get3A_117 = arith.constant 0 : index
    %get3A_118 = arith.constant 64 : index
    %get3A_119 = vector.load %arg7[%get3A_117, %get3A_118] : memref<1024x128xf32, #tpu.memory_space<vmem>>, vector<1024x32xf32>
    %get3A_120 = arith.constant 0 : index
    %get3A_121 = arith.constant 0 : index
    %get3A_122 = vector.load %arg10[%get3A_120, %get3A_121] : memref<1024x128xf32, #tpu.memory_space<vmem>>, vector<1024x32xf32>
    %get3A_123 = arith.constant 0 : index
    %get3A_124 = arith.constant 64 : index
    %get3A_125 = vector.load %arg12[%get3A_123, %get3A_124] : memref<1024x128xf32, #tpu.memory_space<vmem>>, vector<1024x32xf32>
    %concatenate3A_126 = tpu.concatenate %get3A_113, %get3A_116, %get3A_119, %get3A_122, %get3A_125 in 1 : vector<1024x32xf32>, vector<1024x32xf32>, vector<1024x32xf32>, vector<1024x32xf32>, vector<1024x32xf32> -> vector<1024x160xf32>
    %swap3A_127 = arith.constant 0 : index
    %swap3A_128 = arith.constant 0 : index
    %swap3A_129 = vector.load %arg20[%swap3A_127, %swap3A_128] : memref<1024x160xf32, #tpu.memory_space<vmem>>, vector<1024x160xf32>
    tpu.vector_store %arg20[%swap3A_127, %swap3A_128], %concatenate3A_126 {strides = array<i32>} : memref<1024x160xf32, #tpu.memory_space<vmem>>, vector<1024x160xf32>,
    %get3A_130 = arith.constant 0 : index
    %get3A_131 = arith.constant 96 : index
    %get3A_132 = vector.load %arg2[%get3A_130, %get3A_131] : memref<1024x128xf32, #tpu.memory_space<vmem>>, vector<1024x32xf32>
    %get3A_133 = arith.constant 0 : index
    %get3A_134 = arith.constant 32 : index
    %get3A_135 = vector.load %arg5[%get3A_133, %get3A_134] : memref<1024x128xf32, #tpu.memory_space<vmem>>, vector<1024x32xf32>
    %get3A_136 = arith.constant 0 : index
    %get3A_137 = arith.constant 96 : index
    %get3A_138 = vector.load %arg7[%get3A_136, %get3A_137] : memref<1024x128xf32, #tpu.memory_space<vmem>>, vector<1024x32xf32>
    %get3A_139 = arith.constant 0 : index
    %get3A_140 = arith.constant 32 : index
    %get3A_141 = vector.load %arg10[%get3A_139, %get3A_140] : memref<1024x128xf32, #tpu.memory_space<vmem>>, vector<1024x32xf32>
    %get3A_142 = arith.constant 0 : index
    %get3A_143 = arith.constant 96 : index
    %get3A_144 = vector.load %arg12[%get3A_142, %get3A_143] : memref<1024x128xf32, #tpu.memory_space<vmem>>, vector<1024x32xf32>
    %concatenate3A_145 = tpu.concatenate %get3A_132, %get3A_135, %get3A_138, %get3A_141, %get3A_144 in 1 : vector<1024x32xf32>, vector<1024x32xf32>, vector<1024x32xf32>, vector<1024x32xf32>, vector<1024x32xf32> -> vector<1024x160xf32>
    %swap3A_146 = arith.constant 0 : index
    %swap3A_147 = arith.constant 0 : index
    %swap3A_148 = vector.load %arg21[%swap3A_146, %swap3A_147] : memref<1024x160xf32, #tpu.memory_space<vmem>>, vector<1024x160xf32>
    tpu.vector_store %arg21[%swap3A_146, %swap3A_147], %concatenate3A_145 {strides = array<i32>} : memref<1024x160xf32, #tpu.memory_space<vmem>>, vector<1024x160xf32>,
    %get3A_149 = arith.constant 0 : index
    %get3A_150 = arith.constant 0 : index
    %get3A_151 = vector.load %arg3[%get3A_149, %get3A_150] : memref<1024x128xf32, #tpu.memory_space<vmem>>, vector<1024x32xf32>
    %get3A_152 = arith.constant 0 : index
    %get3A_153 = arith.constant 64 : index
    %get3A_154 = vector.load %arg5[%get3A_152, %get3A_153] : memref<1024x128xf32, #tpu.memory_space<vmem>>, vector<1024x32xf32>
    %get3A_155 = arith.constant 0 : index
    %get3A_156 = arith.constant 0 : index
    %get3A_157 = vector.load %arg8[%get3A_155, %get3A_156] : memref<1024x128xf32, #tpu.memory_space<vmem>>, vector<1024x32xf32>
    %get3A_158 = arith.constant 0 : index
    %get3A_159 = arith.constant 64 : index
    %get3A_160 = vector.load %arg10[%get3A_158, %get3A_159] : memref<1024x128xf32, #tpu.memory_space<vmem>>, vector<1024x32xf32>
    %get3A_161 = arith.constant 0 : index
    %get3A_162 = arith.constant 0 : index
    %get3A_163 = vector.load %arg13[%get3A_161, %get3A_162] : memref<1024x128xf32, #tpu.memory_space<vmem>>, vector<1024x32xf32>
    %concatenate3A_164 = tpu.concatenate %get3A_151, %get3A_154, %get3A_157, %get3A_160, %get3A_163 in 1 : vector<1024x32xf32>, vector<1024x32xf32>, vector<1024x32xf32>, vector<1024x32xf32>, vector<1024x32xf32> -> vector<1024x160xf32>
    %swap3A_165 = arith.constant 0 : index
    %swap3A_166 = arith.constant 0 : index
    %swap3A_167 = vector.load %arg22[%swap3A_165, %swap3A_166] : memref<1024x160xf32, #tpu.memory_space<vmem>>, vector<1024x160xf32>
    tpu.vector_store %arg22[%swap3A_165, %swap3A_166], %concatenate3A_164 {strides = array<i32>} : memref<1024x160xf32, #tpu.memory_space<vmem>>, vector<1024x160xf32>,
    return
  }
  func.func @transform_0(%arg0: i32) -> (i32, i32) {
    %c0_i32 = arith.constant 0 : i32
    %c0_i32_0 = arith.constant 0 : i32
    return %arg0, %c0_i32 : i32, i32
  }
  func.func @transform_1(%arg0: i32) -> (i32, i32) {
    %c1_i32 = arith.constant 1 : i32
    %c0_i32 = arith.constant 0 : i32
    return %arg0, %c1_i32 : i32, i32
  }
  func.func @transform_2(%arg0: i32) -> (i32, i32) {
    %c2_i32 = arith.constant 2 : i32
    %c0_i32 = arith.constant 0 : i32
    return %arg0, %c2_i32 : i32, i32
  }
  func.func @transform_3(%arg0: i32) -> (i32, i32) {
    %c3_i32 = arith.constant 3 : i32
    %c0_i32 = arith.constant 0 : i32
    return %arg0, %c3_i32 : i32, i32
  }
  func.func @transform_4(%arg0: i32) -> (i32, i32) {
    %c4_i32 = arith.constant 4 : i32
    %c0_i32 = arith.constant 0 : i32
    return %arg0, %c4_i32 : i32, i32
  }
  func.func @transform_5(%arg0: i32) -> (i32, i32) {
    %c5_i32 = arith.constant 5 : i32
    %c0_i32 = arith.constant 0 : i32
    return %arg0, %c5_i32 : i32, i32
  }
  func.func @transform_6(%arg0: i32) -> (i32, i32) {
    %c6_i32 = arith.constant 6 : i32
    %c0_i32 = arith.constant 0 : i32
    return %arg0, %c6_i32 : i32, i32
  }
  func.func @transform_7(%arg0: i32) -> (i32, i32) {
    %c7_i32 = arith.constant 7 : i32
    %c0_i32 = arith.constant 0 : i32
    return %arg0, %c7_i32 : i32, i32
  }
  func.func @transform_8(%arg0: i32) -> (i32, i32) {
    %c8_i32 = arith.constant 8 : i32
    %c0_i32 = arith.constant 0 : i32
    return %arg0, %c8_i32 : i32, i32
  }
  func.func @transform_9(%arg0: i32) -> (i32, i32) {
    %c9_i32 = arith.constant 9 : i32
    %c0_i32 = arith.constant 0 : i32
    return %arg0, %c9_i32 : i32, i32
  }
  func.func @transform_10(%arg0: i32) -> (i32, i32) {
    %c10_i32 = arith.constant 10 : i32
    %c0_i32 = arith.constant 0 : i32
    return %arg0, %c10_i32 : i32, i32
  }
  func.func @transform_11(%arg0: i32) -> (i32, i32) {
    %c11_i32 = arith.constant 11 : i32
    %c0_i32 = arith.constant 0 : i32
    return %arg0, %c11_i32 : i32, i32
  }
  func.func @transform_12(%arg0: i32) -> (i32, i32) {
    %c12_i32 = arith.constant 12 : i32
    %c0_i32 = arith.constant 0 : i32
    return %arg0, %c12_i32 : i32, i32
  }
  func.func @transform_13(%arg0: i32) -> (i32, i32) {
    %c0_i32 = arith.constant 0 : i32
    %c0_i32_0 = arith.constant 0 : i32
    return %arg0, %c0_i32 : i32, i32
  }
  func.func @transform_14(%arg0: i32) -> (i32, i32) {
    %c0_i32 = arith.constant 0 : i32
    %c0_i32_0 = arith.constant 0 : i32
    return %arg0, %c0_i32 : i32, i32
  }
  func.func @transform_15(%arg0: i32) -> (i32, i32) {
    %c0_i32 = arith.constant 0 : i32
    %c0_i32_0 = arith.constant 0 : i32
    return %arg0, %c0_i32 : i32, i32
  }
  func.func @transform_16(%arg0: i32) -> (i32, i32) {
    %c0_i32 = arith.constant 0 : i32
    %c0_i32_0 = arith.constant 0 : i32
    return %arg0, %c0_i32 : i32, i32
  }
  func.func @transform_17(%arg0: i32) -> (i32, i32) {
    %c0_i32 = arith.constant 0 : i32
    %c0_i32_0 = arith.constant 0 : i32
    return %arg0, %c0_i32 : i32, i32
  }
  func.func @transform_18(%arg0: i32) -> (i32, i32) {
    %c0_i32 = arith.constant 0 : i32
    %c0_i32_0 = arith.constant 0 : i32
    return %arg0, %c0_i32 : i32, i32
  }
  func.func @transform_19(%arg0: i32) -> (i32, i32) {
    %c0_i32 = arith.constant 0 : i32
    %c0_i32_0 = arith.constant 0 : i32
    return %arg0, %c0_i32 : i32, i32
  }
  func.func @transform_20(%arg0: i32) -> (i32, i32) {
    %c0_i32 = arith.constant 0 : i32
    %c0_i32_0 = arith.constant 0 : i32
    return %arg0, %c0_i32 : i32, i32
  }
  func.func @transform_21(%arg0: i32) -> (i32, i32) {
    %c0_i32 = arith.constant 0 : i32
    %c0_i32_0 = arith.constant 0 : i32
    return %arg0, %c0_i32 : i32, i32
  }
}

</mosaic_0001>

<sc_bundles>
// kernel: kernel.4.cloned.1.call-start
scs
__scs_entry_jumppad:
0x0: {  	(pc) =	sbr.rel $0x88, $3  }
0x1: {  	(tag) =	ssettag $0x0;
	lr =	simm.s32 $0x1  }
0x2: {  	[smem:$0x3FA0] =	sst lr;
	_ =	strace $0xD0000000  }
0x3: {  	_ = 	snop  }
0x4: {  	_ = 	snop  }
0x5: {  	_ = 	snop  }
0x6: {  	_ = 	snop  }
0x7: {  	_ = 	snop  }
__scs_overlays_trampoline_lowered:
0x8: {  	[smem:$0x3FAF] =	sst s0  }
0x9: {  	[smem:$0x3FB0] =	sst s1  }
0xa: {  	[smem:$0x3FB1] =	sst s2  }
0xb: {  	[smem:$0x3FB2] =	sst s3  }
0xc: {  	[smem:$0x3FB3] =	sst s4  }
0xd: {  	[smem:$0x3FB4] =	sst s5  }
0xe: {  	[smem:$0x3FB5] =	sst s6  }
0xf: {  	[smem:$0x3FB6] =	sst s7  }
0x10: {  	[smem:$0x3FB7] =	sst s8  }
0x11: {  	[smem:$0x3FB8] =	sst s9;
	s0 =	simm.s32 @!p0 $0x0  }
0x12: {  	s1 =	sld [smem:$0x3F9E];
	s0 =	simm.s32 @p0 $0x1  }
0x13: {  	[smem:$0x3FB9] =	sst s0;
	s0 =	simm.s32 @!p1 $0x0  }
0x14: {  	s2 =	sld [smem:$0x3F9D];
	s0 =	simm.s32 @p1 $0x1  }
0x15: {  	[smem:$0x3FBA] =	sst s0;
	s0 =	simm.s32 @!p2 $0x0  }
0x16: {  	s3 =	sld [smem:$0x3FDB];
	s0 =	simm.s32 @p2 $0x1  }
0x17: {  	s4 =	simm.s32 $0x1BF5;
	[smem:$0x3FBC] =	sst s0  }
0x18: {  	s0 =	sld [smem:$0x3F9F];
	_ =	swait.ge [sflag:s4], $0x0  }
0x19: {  	s7 =	sld [smem:$0x3FA0]  }
0x1a: {  	s8 =	sadd.s32 $0xFFFFE003, lr  }
0x1b: {  	s9 =	sadd.s32 $0xFFFFFEF7, lr;
	s5 =	simm.s32 $0xFFFFFFFF;
	p2 =	slt.u32 s8, $0xFFFFF086  }
0x1c: {  	p1 =	slt.u32 s9, $0xF7A;
	s5 =	simm.s32 @!p2 $0x0  }
0x1d: {  	s5 =	simm.s32 @p1 $0x1;
	p0 =	seq.s32 s7, s2  }
0x1e: {  	s7 =	smul.u32 @!p0 $0xF7A, s2;
	p2 =	seq.s32 @!p0 s5, $0x0  }
0x1f: {  	s9 =	smul.u32 $0xF7A, s1;
	s8 =	simm.s32 @!p0 $0x1BF5;
	p2 =	por !p2, p0  }
0x20: {  	[sflag:s8] =	ssyncset.s32 @!p0 $0xFFFFF086;
	s6 =	sadd.s32 @!p0 s3, s7;
	s7 =	simm.s32 @!p0 $0x108  }
0x21: {  	s3 =	sadd.s32 s3, s9;
	s6 =	sadd.s32 @!p0 $0x88, s6;
	s7 =	simm.s32 @p2 $0x1082  }
0x22: {  	[simem:s7], [sflag:s8] =	dma.local @!p0 [hbm:s6], $0xF7A  }
0x23: {  	s9 =	sor.u32 $0xD0000000, s2;
	s6 =	simm.s32 $0x108;
	_ =	swait.ge @!p0 [sflag:s8], $0x0  }
0x24: {  	s3 =	sadd.s32 $0x88, s3;
	s6 =	simm.s32 @!p1 $0x1082;
	[sflag:s4] =	ssyncset.s32 $0xFFFFF086  }
0x25: {  	[simem:s6], [sflag:s4] =	dma.local [hbm:s3], $0xF7A  }
0x26: {  	[smem:$0x3FA0] =	sst s1;
	(tag) =	ssettag s2;
	_ =	strace s9  }
0x27: {  	s1 =	sld [smem:$0x3FB0]  }
0x28: {  	s2 =	sld [smem:$0x3FB1]  }
0x29: {  	s4 =	sld [smem:$0x3FB3]  }
0x2a: {  	p0 =	seq.s32 s5, $0x0;
	s5 =	sld [smem:$0x3FB4]  }
0x2b: {  	s6 =	sld [smem:$0x3FB5]  }
0x2c: {  	s7 =	sld [smem:$0x3FB6]  }
0x2d: {  	s3 =	simm.s32 $0x108;
	s8 =	sld [smem:$0x3FB7]  }
0x2e: {  	s3 =	simm.s32 @!p0 $0x1082;
	s9 =	sld [smem:$0x3FB8]  }
0x2f: {  	lr =	sadd.s32 s0, s3;
	s0 =	sld [smem:$0x3FAF]  }
0x30: {  	s3 =	sld [smem:$0x3FB2]  }
0x31: {  	[smem:$0x3FBB] =	sst s10  }
0x32: {  	s10 =	sld [smem:$0x3FB9];
	_ =	sdelay $0x3  }
0x33: {  	p0 =	seq.s32 s10, $0x1;
	s10 =	sld [smem:$0x3FBB];
	_ =	sdelay $0x3  }
0x34: {  	[smem:$0x3FBB] =	sst s10  }
0x35: {  	s10 =	sld [smem:$0x3FBA];
	_ =	sdelay $0x3  }
0x36: {  	p1 =	seq.s32 s10, $0x1;
	s10 =	sld [smem:$0x3FBB];
	_ =	sdelay $0x3  }
0x37: {  	[smem:$0x3FBB] =	sst s10  }
0x38: {  	s10 =	sld [smem:$0x3FBC]  }
0x39: {  	_ = 	snop;
	(pc) =	sbr.ind lr, $3  }
0x3a: {  	_ = 	snop  }
0x3b: {  	_ = 	snop  }
0x3c: {  	p2 =	seq.s32 s10, $0x1;
	s10 =	sld [smem:$0x3FBB]  }
0x3d: {  	_ =	shalt  }
0x3e: {  	_ =	shalt  }
0x3f: {  	_ =	shalt  }
0x40: {  	_ =	shalt  }
0x41: {  	_ =	shalt  }
0x42: {  	_ =	shalt  }
0x43: {  	_ =	shalt  }
0x44: {  	_ =	shalt  }
0x45: {  	_ =	shalt  }
0x46: {  	_ =	shalt  }
0x47: {  	_ =	shalt  }
0x48: {  	_ =	shalt  }
0x49: {  	_ =	shalt  }
0x4a: {  	_ =	shalt  }
0x4b: {  	_ =	shalt  }
0x4c: {  	_ =	shalt  }
0x4d: {  	_ =	shalt  }
0x4e: {  	_ =	shalt  }
0x4f: {  	_ =	shalt  }
0x50: {  	_ =	shalt  }
0x51: {  	_ =	shalt  }
0x52: {  	_ =	shalt  }
0x53: {  	_ =	shalt  }
0x54: {  	_ =	shalt  }
0x55: {  	_ =	shalt  }
0x56: {  	_ =	shalt  }
0x57: {  	_ =	shalt  }
0x58: {  	_ =	shalt  }
0x59: {  	_ =	shalt  }
0x5a: {  	_ =	shalt  }
0x5b: {  	_ =	shalt  }
0x5c: {  	_ =	shalt  }
0x5d: {  	_ =	shalt  }
0x5e: {  	_ =	shalt  }
0x5f: {  	_ =	shalt  }
0x60: {  	_ =	shalt  }
0x61: {  	_ =	shalt  }
0x62: {  	_ =	shalt  }
0x63: {  	_ =	shalt  }
0x64: {  	_ =	shalt  }
0x65: {  	_ =	shalt  }
0x66: {  	_ =	shalt  }
0x67: {  	_ =	shalt  }
0x68: {  	_ =	shalt  }
0x69: {  	_ =	shalt  }
0x6a: {  	_ =	shalt  }
0x6b: {  	_ =	shalt  }
0x6c: {  	_ =	shalt  }
0x6d: {  	_ =	shalt  }
0x6e: {  	_ =	shalt  }
0x6f: {  	_ =	shalt  }
0x70: {  	_ =	shalt  }
0x71: {  	_ =	shalt  }
0x72: {  	_ =	shalt  }
0x73: {  	_ =	shalt  }
0x74: {  	_ =	shalt  }
0x75: {  	_ =	shalt  }
0x76: {  	_ =	shalt  }
0x77: {  	_ =	shalt  }
0x78: {  	_ =	shalt  }
0x79: {  	_ =	shalt  }
0x7a: {  	_ =	shalt  }
0x7b: {  	_ =	shalt  }
0x7c: {  	_ =	shalt  }
0x7d: {  	_ =	shalt  }
0x7e: {  	_ =	shalt  }
0x7f: {  	_ =	shalt  }
0x80: {  	_ =	shalt  }
0x81: {  	_ =	shalt  }
0x82: {  	_ =	shalt  }
0x83: {  	_ =	shalt  }
0x84: {  	_ =	shalt  }
0x85: {  	_ =	shalt  }
0x86: {  	_ =	shalt  }
0x87: {  	_ =	shalt  }
.Lfunc_end0:
.L_simem_size_0:
called_computation_lowered:
.L_overlay_start_0:
0x88: {  	s2 =	sld [smem:$0x3FD9]  }
0x89: {  	s3 =	sld [smem:$0x3FFE];
	_ =	sdelay $0x1  }
0x8a: {  	s1 =	srdreg.scid  }
0x8b: {  	s0 =	sand.u32 $0x1, s1  }
0x8c: {  	s14 =	sshll.u32 s0, $0xA;
	s2 =	sadd.s32 s3, s2  }
0x8d: {  	s2 =	sadd.s32 s2, s14  }
0x8e: {  	[smem:$0x3FC7] =	sst s2  }
0x8f: {  	_ = 	snop  }
0x90: {  	s2 =	sld [smem:$0x3FD0];
	_ =	sdelay $0x3  }
0x91: {  	s15 =	simm.s32 $0xA;
	s4 =	simm.s32 $0x10;
	s2 =	sadd.s32 $0x1, s2  }
0x92: {  	[smem:s4], [sflag:s15] =	dma.local [hbm:s2], $0x1  }
0x93: {  	_ =	swait.eq [sflag:s15], $0x1  }
0x94: {  	[sflag:s15] =	ssyncset.done $0x0  }
0x95: {  	[sflag:s15] =	ssyncadd.s32 $0xFFFFFFFF  }
0x96: {  	s16 =	sld [smem:$0x11];
	(tm) =	ssettm $0x1  }
0x97: {  	s17 =	sld [smem:$0x3FFB];
	_ =	sdelay $0x3  }
0x98: {  	_ =	strace s17  }
0x99: {  	s3 =	sld [smem:$0x3FFC];
	_ =	sdelay $0x3  }
0x9a: {  	_ =	strace s3  }
0x9b: {  	s3 =	sld [smem:$0x3FFD];
	_ =	sdelay $0x3  }
0x9c: {  	_ =	strace s3  }
0x9d: {  	_ =	strace $0x8FFFFFFF  }
0x9e: {  	s18 =	sld [smem:$0x3FDB];
	_ =	sdelay $0x1  }
0x9f: {  	s19 =	simm.s32 $_scs_section_size  }
0xa0: {  	s5 =	simm.s32 $_size__tile_overlayer_lowered;
	s6 =	simm.s32 $_tile_overlayer_lowered  }
0xa1: {  	s22 =	simm.s32 $0x1BFF;
	s21 =	sshll.u32 s6, $0x1;
	s3 =	sadd.s32 s19, s18  }
0xa2: {  	s7 =	simm.s32 $0x0;
	s20 =	sshll.u32 s5, $0x1;
	s5 =	sadd.s32 s21, s3  }
0xa3: {  	[timem:s7], [sflag:s22] =	dma.local [hbm:s5], s20  }
0xa4: {  	_ =	swait.ge [sflag:s22], s20  }
0xa5: {  	s4 =	ssub.s32 $0x0, s20;
	[sflag:s22] =	ssyncset.done $0x0  }
0xa6: {  	[sflag:s22] =	ssyncadd.s32 s4;
	_ =	sdelay $0x1  }
0xa7: {  	s23 =	simm.s32 $0x1B8B  }
0xa8: {  	_ =	swait.ge [sflag:s23], $0x1  }
0xa9: {  	[sflag:s23] =	ssyncset.done $0x0  }
0xaa: {  	s25 =	simm.s32 $0x1B8E;
	s24 =	sld [smem:$0x3FFE];
	[sflag:s23] =	ssyncadd.s32 $0xFFFFFFFF  }
0xab: {  	s26 =	simm.s32 $execute0_lowered;
	[smem:$0x3FD2] =	sst s25  }
0xac: {  	s5 =	sshll.u32 s26, $0x1;
	_ =	strace $0x80000046;
	[dreg:$0x1] =	wrdreg $0xFFFFFFFF  }
0xad: {  	s28 =	simm.s32 $_size_execute0_lowered;
	s3 =	sadd.s32 s3, s5;
	[dreg:$0x0] =	wrdreg $0x0  }
0xae: {  	s5 =	sshll.u32 s28, $0x1;
	[dreg:$0x2] =	wrdreg s3  }
0xaf: {  	[dreg:$0x3] =	wrdreg s5  }
0xb0: {  	[dreg:$0x4] =	wrdreg $0xC0  }
0xb1: {  	_ =	task [dreg:s7], $0x5FFFF  }
0xb2: {  	[dreg:$0x1] =	wrdreg $0xFFFFFFFF  }
0xb3: {  	[dreg:$0x0] =	wrdreg $0x60  }
0xb4: {  	[dreg:$0x2] =	wrdreg s24  }
0xb5: {  	[dreg:$0x3] =	wrdreg s16  }
0xb6: {  	[dreg:$0x4] =	wrdreg $0x9  }
0xb7: {  	_ =	task.clear_ibuf [dreg:s7], $0x5FFFF;
	_ =	strace $0x90000046  }
0xb8: {  	s29 =	simm.s32 $0x9;
	_ =	strace $0x80000048  }
0xb9: {  	_ =	swait.ge [sflag:s29], $0x1  }
0xba: {  	[sflag:s29] =	ssyncadd.s32 $0xFFFFFFFF  }
0xbb: {  	_ =	strace $0x90000048  }
0xbc: {  	_ =	sfence  }
0xbd: {  	s30 =	sld [smem:$0x0];
	_ =	sdelay $0x2  }
0xbe: {  	s31 =	sshll.u32 s1, $0xD;
	s1 =	sshrl.u32 s1, $0x2  }
0xbf: {  	s3 =	sand.u32 $0x4000, s31;
	s1 =	sadd.s32 s1, s30  }
0xc0: {  	s0 =	sor.u32 s3, s0;
	s1 =	sshll.u32 s1, $0x11  }
0xc1: {  	s0 =	sor.u32 s1, s0  }
0xc2: {  	s0 =	sadd.s32 $0x8F2B, s0  }
0xc3: {  	[sflag:s0] =	ssyncadd.remote.s32 $0x1  }
0xc4: {  	_ =	sfence.sel $0xFFFF  }
0xc5: {  	[dreg:$0x0] =	wrdreg $0xFFFFFFFF;
	(pc) =	sbr.abs _section_cstart, $3  }
0xc6: {  	[dreg:$0x1] =	wrdreg $0xFFFFFFFF  }
0xc7: {  	_ =	task.clear_ibuf [dreg:s7], $0x2FFFF;
	_ =	strace $0x9FFFFFFF  }
0xc8: {  	(tm) =	ssettm $0x7FFFFFFF  }
0xc9: {  	_ =	shalt  }
tec
execute0_lowered:
.L_overlay_start_1:
0x0: {  	(tag) =	ssettag $0x1  }
0x1: {  	s0 =	srdreg.scid  }
0x2: {  	s1 =	stileid.u32;
	s0 =	sand.u32 $0x1, s0  }
0x3: {  	s1 =	sshll.u32 s1, $0xA;
	s2 =	sshll.u32 s0, $0x9  }
0x4: {  	s0 =	ssub.s32 $0x2, s0;
	s11 =	sor.u32 s2, s1  }
0x5: {  	s3 =	rddreg [dreg:$0x0];
	s23 =	sshrl.u32 s0, $0x1;
	s5 =	smul.u32 $0x190, s11  }
0x6: {  	s0 =	ssub.s32 s0, s23;
	s21 =	sor.u32 $0x80, s11;
	s23 =	smul.u32 $0x14, s11  }
0x7: {  	s26 =	rddreg [dreg:$0x1];
	s22 =	sor.u32 $0x100, s11;
	s10 =	smul.u32 $0x190, s21  }
0x8: {  	s16 =	sadd.s32 $0x3624, s3;
	s24 =	sor.u32 $0x180, s11;
	s15 =	smul.u32 $0x190, s22  }
0x9: {  	s17 =	sadd.s32 $0x364C, s3;
	s18 =	sadd.s32 $0x3674, s3;
	s25 =	smul.u32 $0x190, s24  }
0xa: {  	s19 =	sadd.s32 $0x369C, s3;
	s20 =	sadd.s32 $0x36C4, s3;
	s21 =	smul.u32 $0x14, s21  }
0xb: {  	s1 =	sadd.s32 s5, s16;
	s2 =	sadd.s32 s5, s17;
	s3 =	sadd.s32 s5, s18  }
0xc: {  	s4 =	sadd.s32 s5, s19;
	s5 =	sadd.s32 s5, s20;
	s23 =	sadd.s32 s26, s23  }
0xd: {  	s6 =	sadd.s32 s10, s16;
	s7 =	sadd.s32 s10, s17;
	s8 =	sadd.s32 s10, s18  }
0xe: {  	s9 =	sadd.s32 s10, s19;
	s10 =	sadd.s32 s10, s20;
	s11 =	sadd.s32 s15, s16  }
0xf: {  	s12 =	sadd.s32 s15, s17;
	s13 =	sadd.s32 s15, s18;
	s14 =	sadd.s32 s15, s19  }
0x10: {  	s15 =	sadd.s32 s15, s20;
	s16 =	sadd.s32 s25, s16;
	s17 =	sadd.s32 s25, s17  }
0x11: {  	s18 =	sadd.s32 s25, s18;
	s19 =	sadd.s32 s25, s19;
	s20 =	sadd.s32 s25, s20  }
0x12: {  	s25 =	smul.u32 $0x14, s22;
	s22 =	simm.s32 $0x0;
	[dreg:$0x3] =	wrdreg s23  }
0x13: {  	s24 =	smul.u32 $0x14, s24;
	s21 =	sadd.s32 s26, s21;
	[smem:$0x7FF] =	sst s22  }
0x14: {  	s29 =	simm.s32 $0x1;
	[dreg:$0x4] =	wrdreg s21;
	s25 =	sadd.s32 s26, s25  }
0x15: {  	s30 =	simm.s32 $0x2;
	s26 =	sadd.s32 s26, s24;
	[dreg:$0x5] =	wrdreg s25  }
0x16: {  	s31 =	simm.s32 $0x3;
	s28 =	smax.u32 s0, $0x1;
	[dreg:$0x6] =	wrdreg s26  }
0x17: {  	s0 =	simm.s32 $0x0;
	s21 =	simm.s32 $0x4;
	_ =	strace $0x80000047  }
.LBB2_1:
0x18: {  	s23 =	simm.s32 $0x190  }
0x19: {  	s26 =	sadd.s32 $0x0, s1;
	s24 =	simm.s32 $0xA0;
	s25 =	simm.s32 $0x0  }
.LBB2_2:
0x1a: {  	[tilespmem:s25], [sflag:$0x1] =	stream.linear.gather [hbm4b:s26+s22], $0x20, $0x38;
	[tilespmem:$0xA000] =	vst v63  }
0x1b: {  	s26 =	smov.u32 s23;
	s25 =	smov.u32 s24;
	p0 =	sne.s32 s23, $0xC670  }
.Ltmp0:
0x1c: {  	s23 =	sadd.s32 $0x190, s23;
	(pc) =	sbr.rel @p0 .LBB2_2-.Ltmp0, $2  }
0x1d: {  	_ =	sdelay $0x2  }
0x1e: {  	s24 =	sadd.s32 $0xA0, s24;
	s26 =	sadd.s32 s26, s1  }
0x1f: {  	[tilespmem:s25], [sflag:$0x1] =	stream.linear.gather [hbm4b:s26+s22], $0x20, $0x38;
	[tilespmem:$0xA000] =	vst v63  }
0x20: {  	s23 =	simm.s32 $0x20  }
0x21: {  	s24 =	simm.s32 $0x190;
	s26 =	sadd.s32 $0x0, s2;
	s25 =	simm.s32 $0xC0  }
.LBB2_4:
0x22: {  	[tilespmem:s23], [sflag:$0x1] =	stream.linear.gather [hbm4b:s26+s22], $0x20, $0x38;
	[tilespmem:$0xA000] =	vst v63  }
0x23: {  	s26 =	smov.u32 s24;
	s23 =	smov.u32 s25;
	p0 =	sne.s32 s24, $0xC670  }
.Ltmp1:
0x24: {  	s24 =	sadd.s32 $0x190, s24;
	(pc) =	sbr.rel @p0 .LBB2_4-.Ltmp1, $2  }
0x25: {  	_ =	sdelay $0x2  }
0x26: {  	s25 =	sadd.s32 $0xA0, s25;
	s26 =	sadd.s32 s26, s2  }
0x27: {  	[tilespmem:s23], [sflag:$0x1] =	stream.linear.gather [hbm4b:s26+s22], $0x20, $0x38;
	[tilespmem:$0xA000] =	vst v63  }
0x28: {  	s23 =	simm.s32 $0x40  }
0x29: {  	s24 =	simm.s32 $0x190;
	s26 =	sadd.s32 $0x0, s3;
	s25 =	simm.s32 $0xE0  }
.LBB2_6:
0x2a: {  	[tilespmem:s23], [sflag:$0x1] =	stream.linear.gather [hbm4b:s26+s22], $0x20, $0x38;
	[tilespmem:$0xA000] =	vst v63  }
0x2b: {  	s26 =	smov.u32 s24;
	s23 =	smov.u32 s25;
	p0 =	sne.s32 s24, $0xC670  }
.Ltmp2:
0x2c: {  	s24 =	sadd.s32 $0x190, s24;
	(pc) =	sbr.rel @p0 .LBB2_6-.Ltmp2, $2  }
0x2d: {  	_ =	sdelay $0x2  }
0x2e: {  	s25 =	sadd.s32 $0xA0, s25;
	s26 =	sadd.s32 s26, s3  }
0x2f: {  	[tilespmem:s23], [sflag:$0x1] =	stream.linear.gather [hbm4b:s26+s22], $0x20, $0x38;
	[tilespmem:$0xA000] =	vst v63  }
0x30: {  	s23 =	simm.s32 $0x60  }
0x31: {  	s24 =	simm.s32 $0x190;
	s26 =	sadd.s32 $0x0, s4;
	s25 =	simm.s32 $0x100  }
.LBB2_8:
0x32: {  	[tilespmem:s23], [sflag:$0x1] =	stream.linear.gather [hbm4b:s26+s22], $0x20, $0x38;
	[tilespmem:$0xA000] =	vst v63  }
0x33: {  	s26 =	smov.u32 s24;
	s23 =	smov.u32 s25;
	p0 =	sne.s32 s24, $0xC670  }
.Ltmp3:
0x34: {  	s24 =	sadd.s32 $0x190, s24;
	(pc) =	sbr.rel @p0 .LBB2_8-.Ltmp3, $2  }
0x35: {  	_ =	sdelay $0x2  }
0x36: {  	s25 =	sadd.s32 $0xA0, s25;
	s26 =	sadd.s32 s26, s4  }
0x37: {  	[tilespmem:s23], [sflag:$0x1] =	stream.linear.gather [hbm4b:s26+s22], $0x20, $0x38;
	[tilespmem:$0xA000] =	vst v63  }
0x38: {  	s23 =	simm.s32 $0x80  }
0x39: {  	s24 =	simm.s32 $0x190;
	s26 =	sadd.s32 $0x0, s5;
	s25 =	simm.s32 $0x120  }
.LBB2_10:
0x3a: {  	[tilespmem:s23], [sflag:$0x1] =	stream.linear.gather [hbm4b:s26+s22], $0x20, $0x38;
	[tilespmem:$0xA000] =	vst v63  }
0x3b: {  	s26 =	smov.u32 s24;
	s23 =	smov.u32 s25;
	p0 =	sne.s32 s24, $0xC670  }
.Ltmp4:
0x3c: {  	s24 =	sadd.s32 $0x190, s24;
	(pc) =	sbr.rel @p0 .LBB2_10-.Ltmp4, $2  }
0x3d: {  	_ =	sdelay $0x2  }
0x3e: {  	s25 =	sadd.s32 $0xA0, s25;
	s26 =	sadd.s32 s26, s5  }
0x3f: {  	[tilespmem:s23], [sflag:$0x1] =	stream.linear.gather [hbm4b:s26+s22], $0x20, $0x38;
	[tilespmem:$0xA000] =	vst v63  }
0x40: {  	s23 =	simm.s32 $0x5000  }
0x41: {  	s24 =	simm.s32 $0x190;
	s26 =	sadd.s32 $0x0, s6;
	s25 =	simm.s32 $0x50A0  }
.LBB2_12:
0x42: {  	[tilespmem:s23], [sflag:$0x2] =	stream.linear.gather [hbm4b:s26+s22], $0x20, $0x38;
	[tilespmem:$0xA000] =	vst v63  }
0x43: {  	s26 =	smov.u32 s24;
	s23 =	smov.u32 s25;
	p0 =	sne.s32 s24, $0xC670  }
.Ltmp5:
0x44: {  	s24 =	sadd.s32 $0x190, s24;
	(pc) =	sbr.rel @p0 .LBB2_12-.Ltmp5, $2  }
0x45: {  	_ =	sdelay $0x2  }
0x46: {  	s25 =	sadd.s32 $0xA0, s25;
	s26 =	sadd.s32 s26, s6  }
0x47: {  	[tilespmem:s23], [sflag:$0x2] =	stream.linear.gather [hbm4b:s26+s22], $0x20, $0x38;
	[tilespmem:$0xA000] =	vst v63  }
0x48: {  	s23 =	simm.s32 $0x5020  }
0x49: {  	s24 =	simm.s32 $0x190;
	s26 =	sadd.s32 $0x0, s7;
	s25 =	simm.s32 $0x50C0  }
.LBB2_14:
0x4a: {  	[tilespmem:s23], [sflag:$0x2] =	stream.linear.gather [hbm4b:s26+s22], $0x20, $0x38;
	[tilespmem:$0xA000] =	vst v63  }
0x4b: {  	s26 =	smov.u32 s24;
	s23 =	smov.u32 s25;
	p0 =	sne.s32 s24, $0xC670  }
.Ltmp6:
0x4c: {  	s24 =	sadd.s32 $0x190, s24;
	(pc) =	sbr.rel @p0 .LBB2_14-.Ltmp6, $2  }
0x4d: {  	_ =	sdelay $0x2  }
0x4e: {  	s25 =	sadd.s32 $0xA0, s25;
	s26 =	sadd.s32 s26, s7  }
0x4f: {  	[tilespmem:s23], [sflag:$0x2] =	stream.linear.gather [hbm4b:s26+s22], $0x20, $0x38;
	[tilespmem:$0xA000] =	vst v63  }
0x50: {  	s23 =	simm.s32 $0x5040  }
0x51: {  	s24 =	simm.s32 $0x190;
	s26 =	sadd.s32 $0x0, s8;
	s25 =	simm.s32 $0x50E0  }
.LBB2_16:
0x52: {  	[tilespmem:s23], [sflag:$0x2] =	stream.linear.gather [hbm4b:s26+s22], $0x20, $0x38;
	[tilespmem:$0xA000] =	vst v63  }
0x53: {  	s26 =	smov.u32 s24;
	s23 =	smov.u32 s25;
	p0 =	sne.s32 s24, $0xC670  }
.Ltmp7:
0x54: {  	s24 =	sadd.s32 $0x190, s24;
	(pc) =	sbr.rel @p0 .LBB2_16-.Ltmp7, $2  }
0x55: {  	_ =	sdelay $0x2  }
0x56: {  	s25 =	sadd.s32 $0xA0, s25;
	s26 =	sadd.s32 s26, s8  }
0x57: {  	[tilespmem:s23], [sflag:$0x2] =	stream.linear.gather [hbm4b:s26+s22], $0x20, $0x38;
	[tilespmem:$0xA000] =	vst v63  }
0x58: {  	s23 =	simm.s32 $0x5060  }
0x59: {  	s24 =	simm.s32 $0x190;
	s26 =	sadd.s32 $0x0, s9;
	s25 =	simm.s32 $0x5100  }
.LBB2_18:
0x5a: {  	[tilespmem:s23], [sflag:$0x2] =	stream.linear.gather [hbm4b:s26+s22], $0x20, $0x38;
	[tilespmem:$0xA000] =	vst v63  }
0x5b: {  	s26 =	smov.u32 s24;
	s23 =	smov.u32 s25;
	p0 =	sne.s32 s24, $0xC670  }
.Ltmp8:
0x5c: {  	s24 =	sadd.s32 $0x190, s24;
	(pc) =	sbr.rel @p0 .LBB2_18-.Ltmp8, $2  }
0x5d: {  	_ =	sdelay $0x2  }
0x5e: {  	s25 =	sadd.s32 $0xA0, s25;
	s26 =	sadd.s32 s26, s9  }
0x5f: {  	[tilespmem:s23], [sflag:$0x2] =	stream.linear.gather [hbm4b:s26+s22], $0x20, $0x38;
	[tilespmem:$0xA000] =	vst v63  }
0x60: {  	s23 =	simm.s32 $0x5080  }
0x61: {  	s24 =	simm.s32 $0x190;
	s26 =	sadd.s32 $0x0, s10;
	s25 =	simm.s32 $0x5120  }
.LBB2_20:
0x62: {  	[tilespmem:s23], [sflag:$0x2] =	stream.linear.gather [hbm4b:s26+s22], $0x20, $0x38;
	[tilespmem:$0xA000] =	vst v63  }
0x63: {  	s26 =	smov.u32 s24;
	s23 =	smov.u32 s25;
	p0 =	sne.s32 s24, $0xC670  }
.Ltmp9:
0x64: {  	s24 =	sadd.s32 $0x190, s24;
	(pc) =	sbr.rel @p0 .LBB2_20-.Ltmp9, $2  }
0x65: {  	_ =	sdelay $0x2  }
0x66: {  	s25 =	sadd.s32 $0xA0, s25;
	s26 =	sadd.s32 s26, s10  }
0x67: {  	[tilespmem:s23], [sflag:$0x2] =	stream.linear.gather [hbm4b:s26+s22], $0x20, $0x38;
	[tilespmem:$0xA000] =	vst v63  }
0x68: {  	_ =	swait.ge [sflag:s29], $0x1000  }
0x69: {  	[sflag:s29] =	ssyncset.done $0x0  }
0x6a: {  	[sflag:s29] =	ssyncadd.s32 $0xFFFFF000  }
0x6b: {  	_ =	swait.ge [sflag:s29], $0x1000  }
0x6c: {  	[sflag:s29] =	ssyncset.done $0x0  }
0x6d: {  	[sflag:s29] =	ssyncadd.s32 $0xFFFFF000  }
0x6e: {  	_ =	swait.ge [sflag:s29], $0x1000  }
0x6f: {  	[sflag:s29] =	ssyncset.done $0x0  }
0x70: {  	[sflag:s29] =	ssyncadd.s32 $0xFFFFF000  }
0x71: {  	_ =	swait.ge [sflag:s29], $0x1000  }
0x72: {  	[sflag:s29] =	ssyncset.done $0x0  }
0x73: {  	[sflag:s29] =	ssyncadd.s32 $0xFFFFF000  }
0x74: {  	_ =	swait.ge [sflag:s29], $0x1000  }
0x75: {  	[sflag:s29] =	ssyncset.done $0x0  }
0x76: {  	s23 =	simm.s32 $0x0;
	s24 =	rddreg [dreg:$0x3];
	[sflag:s29] =	ssyncadd.s32 $0xFFFFF000  }
0x77: {  	[hbm4b:s24+s23] =	stream.linear.scatter [tilespmem:s23], [sflag:$0x3], $0x5000, $0x38;
	[tilespmem:$0xA000] =	vst v63  }
0x78: {  	s26 =	sadd.s32 $0x0, s11;
	s25 =	simm.s32 $0xA0;
	s24 =	simm.s32 $0x190  }
.LBB2_22:
0x79: {  	[tilespmem:s23], [sflag:$0x1] =	stream.linear.gather [hbm4b:s26+s22], $0x20, $0x38;
	[tilespmem:$0xA000] =	vst v63  }
0x7a: {  	s26 =	smov.u32 s24;
	s23 =	smov.u32 s25;
	p0 =	sne.s32 s24, $0xC670  }
.Ltmp10:
0x7b: {  	s24 =	sadd.s32 $0x190, s24;
	(pc) =	sbr.rel @p0 .LBB2_22-.Ltmp10, $2  }
0x7c: {  	_ =	sdelay $0x2  }
0x7d: {  	s25 =	sadd.s32 $0xA0, s25;
	s26 =	sadd.s32 s26, s11  }
0x7e: {  	[tilespmem:s23], [sflag:$0x1] =	stream.linear.gather [hbm4b:s26+s22], $0x20, $0x38;
	[tilespmem:$0xA000] =	vst v63  }
0x7f: {  	s23 =	simm.s32 $0x20  }
0x80: {  	s24 =	simm.s32 $0x190;
	s26 =	sadd.s32 $0x0, s12;
	s25 =	simm.s32 $0xC0  }
.LBB2_24:
0x81: {  	[tilespmem:s23], [sflag:$0x1] =	stream.linear.gather [hbm4b:s26+s22], $0x20, $0x38;
	[tilespmem:$0xA000] =	vst v63  }
0x82: {  	s26 =	smov.u32 s24;
	s23 =	smov.u32 s25;
	p0 =	sne.s32 s24, $0xC670  }
.Ltmp11:
0x83: {  	s24 =	sadd.s32 $0x190, s24;
	(pc) =	sbr.rel @p0 .LBB2_24-.Ltmp11, $2  }
0x84: {  	_ =	sdelay $0x2  }
0x85: {  	s25 =	sadd.s32 $0xA0, s25;
	s26 =	sadd.s32 s26, s12  }
0x86: {  	[tilespmem:s23], [sflag:$0x1] =	stream.linear.gather [hbm4b:s26+s22], $0x20, $0x38;
	[tilespmem:$0xA000] =	vst v63  }
0x87: {  	s23 =	simm.s32 $0x40  }
0x88: {  	s24 =	simm.s32 $0x190;
	s26 =	sadd.s32 $0x0, s13;
	s25 =	simm.s32 $0xE0  }
.LBB2_26:
0x89: {  	[tilespmem:s23], [sflag:$0x1] =	stream.linear.gather [hbm4b:s26+s22], $0x20, $0x38;
	[tilespmem:$0xA000] =	vst v63  }
0x8a: {  	s26 =	smov.u32 s24;
	s23 =	smov.u32 s25;
	p0 =	sne.s32 s24, $0xC670  }
.Ltmp12:
0x8b: {  	s24 =	sadd.s32 $0x190, s24;
	(pc) =	sbr.rel @p0 .LBB2_26-.Ltmp12, $2  }
0x8c: {  	_ =	sdelay $0x2  }
0x8d: {  	s25 =	sadd.s32 $0xA0, s25;
	s26 =	sadd.s32 s26, s13  }
0x8e: {  	[tilespmem:s23], [sflag:$0x1] =	stream.linear.gather [hbm4b:s26+s22], $0x20, $0x38;
	[tilespmem:$0xA000] =	vst v63  }
0x8f: {  	s23 =	simm.s32 $0x60  }
0x90: {  	s24 =	simm.s32 $0x190;
	s26 =	sadd.s32 $0x0, s14;
	s25 =	simm.s32 $0x100  }
.LBB2_28:
0x91: {  	[tilespmem:s23], [sflag:$0x1] =	stream.linear.gather [hbm4b:s26+s22], $0x20, $0x38;
	[tilespmem:$0xA000] =	vst v63  }
0x92: {  	s26 =	smov.u32 s24;
	s23 =	smov.u32 s25;
	p0 =	sne.s32 s24, $0xC670  }
.Ltmp13:
0x93: {  	s24 =	sadd.s32 $0x190, s24;
	(pc) =	sbr.rel @p0 .LBB2_28-.Ltmp13, $2  }
0x94: {  	_ =	sdelay $0x2  }
0x95: {  	s25 =	sadd.s32 $0xA0, s25;
	s26 =	sadd.s32 s26, s14  }
0x96: {  	[tilespmem:s23], [sflag:$0x1] =	stream.linear.gather [hbm4b:s26+s22], $0x20, $0x38;
	[tilespmem:$0xA000] =	vst v63  }
0x97: {  	s23 =	simm.s32 $0x80  }
0x98: {  	s24 =	simm.s32 $0x190;
	s26 =	sadd.s32 $0x0, s15;
	s25 =	simm.s32 $0x120  }
.LBB2_30:
0x99: {  	[tilespmem:s23], [sflag:$0x1] =	stream.linear.gather [hbm4b:s26+s22], $0x20, $0x38;
	[tilespmem:$0xA000] =	vst v63  }
0x9a: {  	s26 =	smov.u32 s24;
	s23 =	smov.u32 s25;
	p0 =	sne.s32 s24, $0xC670  }
.Ltmp14:
0x9b: {  	s24 =	sadd.s32 $0x190, s24;
	(pc) =	sbr.rel @p0 .LBB2_30-.Ltmp14, $2  }
0x9c: {  	_ =	sdelay $0x2  }
0x9d: {  	s25 =	sadd.s32 $0xA0, s25;
	s26 =	sadd.s32 s26, s15  }
0x9e: {  	[tilespmem:s23], [sflag:$0x1] =	stream.linear.gather [hbm4b:s26+s22], $0x20, $0x38;
	[tilespmem:$0xA000] =	vst v63  }
0x9f: {  	_ =	swait.ge [sflag:s30], $0x1000  }
0xa0: {  	[sflag:s30] =	ssyncset.done $0x0  }
0xa1: {  	[sflag:s30] =	ssyncadd.s32 $0xFFFFF000  }
0xa2: {  	_ =	swait.ge [sflag:s30], $0x1000  }
0xa3: {  	[sflag:s30] =	ssyncset.done $0x0  }
0xa4: {  	[sflag:s30] =	ssyncadd.s32 $0xFFFFF000  }
0xa5: {  	_ =	swait.ge [sflag:s30], $0x1000  }
0xa6: {  	[sflag:s30] =	ssyncset.done $0x0  }
0xa7: {  	[sflag:s30] =	ssyncadd.s32 $0xFFFFF000  }
0xa8: {  	_ =	swait.ge [sflag:s30], $0x1000  }
0xa9: {  	[sflag:s30] =	ssyncset.done $0x0  }
0xaa: {  	[sflag:s30] =	ssyncadd.s32 $0xFFFFF000  }
0xab: {  	_ =	swait.ge [sflag:s30], $0x1000  }
0xac: {  	s24 =	simm.s32 $0x0;
	[sflag:s30] =	ssyncset.done $0x0  }
0xad: {  	s23 =	simm.s32 $0x5000;
	s25 =	rddreg [dreg:$0x4];
	[sflag:s30] =	ssyncadd.s32 $0xFFFFF000  }
0xae: {  	[hbm4b:s25+s24] =	stream.linear.scatter [tilespmem:s23], [sflag:$0x4], $0x5000, $0x38;
	[tilespmem:$0xA000] =	vst v63  }
0xaf: {  	s26 =	sadd.s32 $0x0, s16;
	s24 =	simm.s32 $0x190;
	s25 =	simm.s32 $0x50A0  }
.LBB2_32:
0xb0: {  	[tilespmem:s23], [sflag:$0x2] =	stream.linear.gather [hbm4b:s26+s22], $0x20, $0x38;
	[tilespmem:$0xA000] =	vst v63  }
0xb1: {  	s26 =	smov.u32 s24;
	s23 =	smov.u32 s25;
	p0 =	sne.s32 s24, $0xC670  }
.Ltmp15:
0xb2: {  	s24 =	sadd.s32 $0x190, s24;
	(pc) =	sbr.rel @p0 .LBB2_32-.Ltmp15, $2  }
0xb3: {  	_ =	sdelay $0x2  }
0xb4: {  	s25 =	sadd.s32 $0xA0, s25;
	s26 =	sadd.s32 s26, s16  }
0xb5: {  	[tilespmem:s23], [sflag:$0x2] =	stream.linear.gather [hbm4b:s26+s22], $0x20, $0x38;
	[tilespmem:$0xA000] =	vst v63  }
0xb6: {  	s23 =	simm.s32 $0x5020  }
0xb7: {  	s24 =	simm.s32 $0x190;
	s26 =	sadd.s32 $0x0, s17;
	s25 =	simm.s32 $0x50C0  }
.LBB2_34:
0xb8: {  	[tilespmem:s23], [sflag:$0x2] =	stream.linear.gather [hbm4b:s26+s22], $0x20, $0x38;
	[tilespmem:$0xA000] =	vst v63  }
0xb9: {  	s26 =	smov.u32 s24;
	s23 =	smov.u32 s25;
	p0 =	sne.s32 s24, $0xC670  }
.Ltmp16:
0xba: {  	s24 =	sadd.s32 $0x190, s24;
	(pc) =	sbr.rel @p0 .LBB2_34-.Ltmp16, $2  }
0xbb: {  	_ =	sdelay $0x2  }
0xbc: {  	s25 =	sadd.s32 $0xA0, s25;
	s26 =	sadd.s32 s26, s17  }
0xbd: {  	[tilespmem:s23], [sflag:$0x2] =	stream.linear.gather [hbm4b:s26+s22], $0x20, $0x38;
	[tilespmem:$0xA000] =	vst v63  }
0xbe: {  	s23 =	simm.s32 $0x5040  }
0xbf: {  	s24 =	simm.s32 $0x190;
	s26 =	sadd.s32 $0x0, s18;
	s25 =	simm.s32 $0x50E0  }
.LBB2_36:
0xc0: {  	[tilespmem:s23], [sflag:$0x2] =	stream.linear.gather [hbm4b:s26+s22], $0x20, $0x38;
	[tilespmem:$0xA000] =	vst v63  }
0xc1: {  	s26 =	smov.u32 s24;
	s23 =	smov.u32 s25;
	p0 =	sne.s32 s24, $0xC670  }
.Ltmp17:
0xc2: {  	s24 =	sadd.s32 $0x190, s24;
	(pc) =	sbr.rel @p0 .LBB2_36-.Ltmp17, $2  }
0xc3: {  	_ =	sdelay $0x2  }
0xc4: {  	s25 =	sadd.s32 $0xA0, s25;
	s26 =	sadd.s32 s26, s18  }
0xc5: {  	[tilespmem:s23], [sflag:$0x2] =	stream.linear.gather [hbm4b:s26+s22], $0x20, $0x38;
	[tilespmem:$0xA000] =	vst v63  }
0xc6: {  	s23 =	simm.s32 $0x5060  }
0xc7: {  	s24 =	simm.s32 $0x190;
	s26 =	sadd.s32 $0x0, s19;
	s25 =	simm.s32 $0x5100  }
.LBB2_38:
0xc8: {  	[tilespmem:s23], [sflag:$0x2] =	stream.linear.gather [hbm4b:s26+s22], $0x20, $0x38;
	[tilespmem:$0xA000] =	vst v63  }
0xc9: {  	s26 =	smov.u32 s24;
	s23 =	smov.u32 s25;
	p0 =	sne.s32 s24, $0xC670  }
.Ltmp18:
0xca: {  	s24 =	sadd.s32 $0x190, s24;
	(pc) =	sbr.rel @p0 .LBB2_38-.Ltmp18, $2  }
0xcb: {  	_ =	sdelay $0x2  }
0xcc: {  	s25 =	sadd.s32 $0xA0, s25;
	s26 =	sadd.s32 s26, s19  }
0xcd: {  	[tilespmem:s23], [sflag:$0x2] =	stream.linear.gather [hbm4b:s26+s22], $0x20, $0x38;
	[tilespmem:$0xA000] =	vst v63  }
0xce: {  	s23 =	simm.s32 $0x5080  }
0xcf: {  	s24 =	simm.s32 $0x190;
	s26 =	sadd.s32 $0x0, s20;
	s25 =	simm.s32 $0x5120  }
.LBB2_40:
0xd0: {  	[tilespmem:s23], [sflag:$0x2] =	stream.linear.gather [hbm4b:s26+s22], $0x20, $0x38;
	[tilespmem:$0xA000] =	vst v63  }
0xd1: {  	s26 =	smov.u32 s24;
	s23 =	smov.u32 s25;
	p0 =	sne.s32 s24, $0xC670  }
.Ltmp19:
0xd2: {  	s24 =	sadd.s32 $0x190, s24;
	(pc) =	sbr.rel @p0 .LBB2_40-.Ltmp19, $2  }
0xd3: {  	_ =	sdelay $0x2  }
0xd4: {  	s25 =	sadd.s32 $0xA0, s25;
	s26 =	sadd.s32 s26, s20  }
0xd5: {  	[tilespmem:s23], [sflag:$0x2] =	stream.linear.gather [hbm4b:s26+s22], $0x20, $0x38;
	[tilespmem:$0xA000] =	vst v63  }
0xd6: {  	_ =	swait.ge [sflag:s29], $0x1000  }
0xd7: {  	[sflag:s29] =	ssyncset.done $0x0  }
0xd8: {  	[sflag:s29] =	ssyncadd.s32 $0xFFFFF000  }
0xd9: {  	_ =	swait.ge [sflag:s29], $0x1000  }
0xda: {  	[sflag:s29] =	ssyncset.done $0x0  }
0xdb: {  	[sflag:s29] =	ssyncadd.s32 $0xFFFFF000  }
0xdc: {  	_ =	swait.ge [sflag:s29], $0x1000  }
0xdd: {  	[sflag:s29] =	ssyncset.done $0x0  }
0xde: {  	[sflag:s29] =	ssyncadd.s32 $0xFFFFF000  }
0xdf: {  	_ =	swait.ge [sflag:s29], $0x1000  }
0xe0: {  	[sflag:s29] =	ssyncset.done $0x0  }
0xe1: {  	[sflag:s29] =	ssyncadd.s32 $0xFFFFF000  }
0xe2: {  	_ =	swait.ge [sflag:s29], $0x1000  }
0xe3: {  	[sflag:s29] =	ssyncset.done $0x0  }
0xe4: {  	[sflag:s29] =	ssyncadd.s32 $0xFFFFF000  }
0xe5: {  	_ =	swait.ge [sflag:s31], $0x5000  }
0xe6: {  	[sflag:s31] =	ssyncset.done $0x0  }
0xe7: {  	s25 =	rddreg [dreg:$0x5];
	[sflag:s31] =	ssyncadd.s32 $0xFFFFB000  }
0xe8: {  	[hbm4b:s25+s22] =	stream.linear.scatter [tilespmem:s22], [sflag:$0x3], $0x5000, $0x38;
	[tilespmem:$0xA000] =	vst v63  }
0xe9: {  	_ =	swait.ge [sflag:s30], $0x1000  }
0xea: {  	[sflag:s30] =	ssyncset.done $0x0  }
0xeb: {  	[sflag:s30] =	ssyncadd.s32 $0xFFFFF000  }
0xec: {  	_ =	swait.ge [sflag:s30], $0x1000  }
0xed: {  	[sflag:s30] =	ssyncset.done $0x0  }
0xee: {  	[sflag:s30] =	ssyncadd.s32 $0xFFFFF000  }
0xef: {  	_ =	swait.ge [sflag:s30], $0x1000  }
0xf0: {  	[sflag:s30] =	ssyncset.done $0x0  }
0xf1: {  	[sflag:s30] =	ssyncadd.s32 $0xFFFFF000  }
0xf2: {  	_ =	swait.ge [sflag:s30], $0x1000  }
0xf3: {  	[sflag:s30] =	ssyncset.done $0x0  }
0xf4: {  	[sflag:s30] =	ssyncadd.s32 $0xFFFFF000  }
0xf5: {  	_ =	swait.ge [sflag:s30], $0x1000  }
0xf6: {  	[sflag:s30] =	ssyncset.done $0x0  }
0xf7: {  	[sflag:s30] =	ssyncadd.s32 $0xFFFFF000  }
0xf8: {  	_ =	swait.ge [sflag:s21], $0x5000  }
0xf9: {  	s24 =	simm.s32 $0x5000;
	[sflag:s21] =	ssyncset.done $0x0  }
0xfa: {  	s0 =	sadd.s32 $0x1, s0;
	s26 =	rddreg [dreg:$0x6];
	[sflag:s21] =	ssyncadd.s32 $0xFFFFB000  }
0xfb: {  	[hbm4b:s26+s22] =	stream.linear.scatter [tilespmem:s24], [sflag:$0x4], $0x5000, $0x38;
	[tilespmem:$0xA000] =	vst v63  }
0xfc: {  	p0 =	sne.s32 s0, s28;
	_ =	swait.ge [sflag:s31], $0x5000  }
.Ltmp20:
0xfd: {  	[sflag:s31] =	ssyncset.done $0x0;
	(pc) =	sbr.rel @p0 .LBB2_1-.Ltmp20, $4  }
0xfe: {  	[sflag:s31] =	ssyncadd.s32 $0xFFFFB000  }
0xff: {  	_ =	swait.ge [sflag:s21], $0x5000  }
0x100: {  	[sflag:s21] =	ssyncset.done $0x0  }
0x101: {  	[sflag:s21] =	ssyncadd.s32 $0xFFFFB000  }
0x102: {  	_ =	sfence.sel $0x180000  }
0x103: {  	[bflag:$0x0] =	sbarrier.arrive $0xFFFF  }
0x104: {  	_ =	strace $0x90000047  }
0x105: {  	s0 =	stileid.u32;
	[bflag:$0x2] =	sbarrier.arrive $0xFFFF  }
0x106: {  	p0 =	sne.s32 s0, $0x0;
	s0 =	rddreg [dreg:$0x2]  }
0x107: {  	s0 =	sadd.s32 @!p0 $0x100000, s0  }
0x108: {  	[sflag:s0] =	ssyncadd.tile.s32 @!p0 $0x1;
	_ =	shalt  }
.Lfunc_end2:
_tile_overlayer_lowered:
.L_overlay_start_2:
0x109: {  	(tag) =	ssettag $0x2  }
0x10a: {  	s0 =	rddreg [dreg:$0x0];
	s2 =	stileid.u32  }
0x10b: {  	s1 =	rddreg [dreg:$0x1];
	p0 =	sne.s32 s2, $0x0  }
0x10c: {  	s3 =	rddreg [dreg:$0x2];
	[bflag:$0x3] =	sbarrier.arrive $0xFFFF;
	s2 =	simm.s32 @!p0 $0x1C05  }
0x10d: {  	[timem:s3], [sflag:s2] =	dma.local @!p0 [hbm:s0], s1  }
0x10e: {  	s0 =	simm.s32 @!p0 $0x5  }
0x10f: {  	_ =	swait.ge @!p0 [sflag:s0], s1  }
0x110: {  	s1 =	ssub.s32 @!p0 $0x0, s1;
	[sflag:s0] =	ssyncset.done @!p0 $0x0  }
0x111: {  	[sflag:s0] =	ssyncadd.s32 @!p0 s1  }
0x112: {  	[bflag:$0x3] =	sbarrier.arrive $0xFFFF  }
0x113: {  	_ =	shalt  }

</sc_bundles>
